<compile_context>
chip_gen: v7x
topology: tpu7x:2x2x1
jax: 0.10.2.dev20260603
libtpu: 0.0.44.dev20260713+nightly
codegen_flags: <defaults>
</compile_context>

<pallas_src>
import functools

import jax
import jax.numpy as jnp
from jax import lax
from jax.experimental import pallas as pl
from jax.experimental.pallas import tpu as pltpu
from jax.experimental.pallas import tpu_sc as plsc

N = 10000
D = 128
H = 128
O = 64
E = 320000

NC = 2
NS = 16
NW = NC * NS
CH = 128
NCH = 79
EPW = NCH * CH
E_PAD = NW * EPW
N_PAD = 10240
RPT = N_PAD // NS
NR = 10112
RPA = NR // NS

_mesh = plsc.VectorSubcoreMesh(core_axis_name="c", subcore_axis_name="s")


def _fill_rows(ref, nrows, value):
    vec = jnp.full((16,), value, jnp.float32)

    def body(r, _):
        for cidx in range(CH // 16):
            ref[r, pl.ds(cidx * 16, 16)] = vec
        return 0

    lax.fori_loop(0, nrows, body, 0)


@functools.partial(
    pl.kernel,
    out_type=jax.ShapeDtypeStruct((NC, N_PAD), jnp.float32),
    mesh=_mesh,
    scratch_types=[
        pltpu.VMEM((NCH, CH), jnp.int32),
        pltpu.VMEM((CH,), jnp.float32),
        pltpu.VMEM((CH,), jnp.float32),
        pltpu.VMEM_SHARED((N_PAD,), jnp.float32),
    ],
)
def _sc_degree(dst_hbm, out_hbm, idx_v, ones_v, zero_v, deg_sh):
    cid = lax.axis_index("c")
    sid = lax.axis_index("s")
    wid = cid * NS + sid

    ones16 = jnp.ones((16,), jnp.float32)
    zeros16 = jnp.zeros((16,), jnp.float32)
    for i in range(CH // 16):
        ones_v[pl.ds(i * 16, 16)] = ones16
        zero_v[pl.ds(i * 16, 16)] = zeros16

    for k in range(RPT // CH):
        pltpu.sync_copy(zero_v, deg_sh.at[pl.ds(sid * RPT + k * CH, CH)])
    plsc.subcore_barrier()

    pltpu.sync_copy(dst_hbm.at[wid], idx_v)

    def body(j, _):
        pltpu.sync_copy(ones_v, deg_sh.at[idx_v.at[j]], add=True)
        return 0

    lax.fori_loop(0, NCH, body, 0)
    plsc.subcore_barrier()

    pltpu.sync_copy(
        deg_sh.at[pl.ds(sid * RPT, RPT)], out_hbm.at[cid, pl.ds(sid * RPT, RPT)]
    )


@functools.partial(
    pl.kernel,
    out_type=jax.ShapeDtypeStruct((NC, NR, H), jnp.float32),
    mesh=_mesh,
    scratch_types=[
        pltpu.VMEM((NCH, CH), jnp.int32),
        pltpu.VMEM((NCH, CH), jnp.int32),
        pltpu.VMEM((CH, H), jnp.float32),
        pltpu.VMEM_SHARED((NR, H), jnp.float32),
        pltpu.SemaphoreType.DMA,
    ],
)
def _sc_agg(hp_hbm, src_hbm, dst_hbm, out_hbm, src_v, dst_v, ra, agg_sh,
            sem_a):
    cid = lax.axis_index("c")
    sid = lax.axis_index("s")
    wid = cid * NS + sid

    _fill_rows(ra, CH, 0.0)
    base = sid * RPA
    for k in range(RPA // CH):
        pltpu.sync_copy(ra, agg_sh.at[pl.ds(base + k * CH, CH)])
    if RPA % CH:
        pltpu.sync_copy(ra, agg_sh.at[pl.ds(base + RPA - CH, CH)])
    plsc.subcore_barrier()

    pltpu.sync_copy(src_hbm.at[wid], src_v)
    pltpu.sync_copy(dst_hbm.at[wid], dst_v)

    def body(j, _):
        pltpu.async_copy(hp_hbm.at[src_v.at[j]], ra, sem_a)
        pltpu.make_async_copy(hp_hbm.at[src_v.at[j]], ra, sem_a).wait()
        pltpu.sync_copy(ra, agg_sh.at[dst_v.at[j]], add=True)
        return 0

    lax.fori_loop(0, NCH, body, 0)
    plsc.subcore_barrier()

    pltpu.sync_copy(
        agg_sh.at[pl.ds(sid * RPA, RPA)],
        out_hbm.at[cid, pl.ds(sid * RPA, RPA), :],
    )


_BLK = 2000
_GRID = N // _BLK


def _tc_dis(deg2):

    def body(deg_ref, o_ref):
        d = deg_ref[0, :] + deg_ref[1, :] + 1.0
        o_ref[...] = lax.rsqrt(d)[:, None]

    return pl.pallas_call(
        body,
        out_shape=jax.ShapeDtypeStruct((N_PAD, 1), jnp.float32),
    )(deg2)


def _tc_scale_mm(x, w, dis):

    def body(x_ref, w_ref, dis_ref, o_ref):
        h = jnp.dot(x_ref[...], w_ref[...], preferred_element_type=jnp.float32)
        o_ref[...] = h * dis_ref[...]

    return pl.pallas_call(
        body,
        grid=(_GRID,),
        in_specs=[
            pl.BlockSpec((_BLK, D), lambda i: (i, 0)),
            pl.BlockSpec((D, H), lambda i: (0, 0)),
            pl.BlockSpec((_BLK, 1), lambda i: (i, 0)),
        ],
        out_specs=pl.BlockSpec((_BLK, H), lambda i: (i, 0)),
        out_shape=jax.ShapeDtypeStruct((N, H), jnp.float32),
    )(x, w, dis)


def _tc_layer2(agg, hp, dis, w2, b1):

    def body(agg_ref, hp_ref, dis_ref, w_ref, b_ref, o_ref):
        s = agg_ref[0] + agg_ref[1] + hp_ref[...]
        a = jnp.maximum(s * dis_ref[...] + b_ref[...], 0.0)
        h = jnp.dot(a, w_ref[...], preferred_element_type=jnp.float32)
        o_ref[...] = h * dis_ref[...]

    return pl.pallas_call(
        body,
        grid=(_GRID,),
        in_specs=[
            pl.BlockSpec((NC, _BLK, H), lambda i: (0, i, 0)),
            pl.BlockSpec((_BLK, H), lambda i: (i, 0)),
            pl.BlockSpec((_BLK, 1), lambda i: (i, 0)),
            pl.BlockSpec((H, H), lambda i: (0, 0)),
            pl.BlockSpec((1, H), lambda i: (0, 0)),
        ],
        out_specs=pl.BlockSpec((_BLK, H), lambda i: (i, 0)),
        out_shape=jax.ShapeDtypeStruct((N, H), jnp.float32),
    )(agg, hp, dis, w2, b1)


def _tc_head(agg, hp, dis, b2, wfc, bfc):

    def body(agg_ref, hp_ref, dis_ref, b_ref, wfc_ref, bfc_ref, o_ref, acc):
        i = pl.program_id(0)
        s = agg_ref[0] + agg_ref[1] + hp_ref[...]
        h2 = jnp.maximum(s * dis_ref[...] + b_ref[...], 0.0)
        p = jnp.sum(h2, axis=0, keepdims=True)

        @pl.when(i == 0)
        def _():
            acc[...] = p

        @pl.when(i > 0)
        def _():
            acc[...] = acc[...] + p

        @pl.when(i == _GRID - 1)
        def _():
            g = acc[...] * (1.0 / N)
            o_ref[...] = (
                jnp.dot(g, wfc_ref[...], preferred_element_type=jnp.float32)
                + bfc_ref[...]
            )

    return pl.pallas_call(
        body,
        grid=(_GRID,),
        in_specs=[
            pl.BlockSpec((NC, _BLK, H), lambda i: (0, i, 0)),
            pl.BlockSpec((_BLK, H), lambda i: (i, 0)),
            pl.BlockSpec((_BLK, 1), lambda i: (i, 0)),
            pl.BlockSpec((1, H), lambda i: (0, 0)),
            pl.BlockSpec((H, O), lambda i: (0, 0)),
            pl.BlockSpec((1, O), lambda i: (0, 0)),
        ],
        out_specs=pl.BlockSpec((1, O), lambda i: (0, 0)),
        out_shape=jax.ShapeDtypeStruct((1, O), jnp.float32),
        scratch_shapes=[pltpu.VMEM((1, H), jnp.float32)],
    )(agg, hp, dis, b2, wfc, bfc)


def kernel(x, edge_index, W1, b1, W2, b2, Wfc, bfc):
    src = edge_index[0]
    dst = edge_index[1]
    pad = E_PAD - E
    ar = jnp.arange(pad, dtype=jnp.int32)
    src3 = jnp.concatenate([src, ar % N]).reshape(NW, NCH, CH)
    dst3 = jnp.concatenate([dst, N + (ar % (NR - N))]).reshape(NW, NCH, CH)

    deg2 = _sc_degree(dst3)
    dis = _tc_dis(deg2)
    hp1 = _tc_scale_mm(x, W1, dis)
    agg1 = _sc_agg(hp1, src3, dst3)
    hp2 = _tc_layer2(agg1, hp1, dis, W2, b1.reshape(1, H))
    agg2 = _sc_agg(hp2, src3, dst3)
    y = _tc_head(agg2, hp2, dis, b2.reshape(1, H), Wfc, bfc.reshape(1, O))
    return y.reshape(O)

# --- scband reference (transcript-rebuilt; emitter-appended) ---
"""Pipeline reference for scband-meta-controller-39410619908737 (READ-ONLY COPY).

The authoritative reference and input builder live on the scoring server;
editing this copy changes nothing except your own understanding.
"""

import jax, jax.numpy as jnp
import numpy as np

N = 10000
E = 320000
D = 128
H = 128
O = 64


def _gcn_conv(x, edge_index, W, b):
    # Faithful GCNConv (PyG default): add self-loops, symmetric normalization,
    # linear transform, scatter-add aggregation, bias.
    n = x.shape[0]
    src = edge_index[0]
    dst = edge_index[1]
    loop = jnp.arange(n, dtype=src.dtype)
    row = jnp.concatenate([src, loop])
    col = jnp.concatenate([dst, loop])
    deg = jnp.zeros((n,), x.dtype).at[col].add(1.0)
    deg_inv_sqrt = jnp.where(deg > 0, 1.0 / jnp.sqrt(deg), 0.0)
    norm = deg_inv_sqrt[row] * deg_inv_sqrt[col]
    h = x @ W
    msg = h[row] * norm[:, None]
    out = jnp.zeros((n, W.shape[1]), x.dtype).at[col].add(msg)
    return out + b


def setup_inputs(seed: int = 0) -> dict:
    key = jax.random.key(seed)
    ks = jax.random.split(key, 8)
    x = jax.random.normal(ks[0], (N, D), dtype=jnp.float32)
    edge_index = jax.random.randint(ks[1], (2, E), 0, N, dtype=jnp.int32)
    W1 = jax.random.normal(ks[2], (D, H), dtype=jnp.float32) * 0.05
    b1 = jnp.zeros((H,), dtype=jnp.float32)
    W2 = jax.random.normal(ks[3], (H, H), dtype=jnp.float32) * 0.05
    b2 = jnp.zeros((H,), dtype=jnp.float32)
    Wfc = jax.random.normal(ks[4], (H, O), dtype=jnp.float32) * 0.05
    bfc = jnp.zeros((O,), dtype=jnp.float32)
    return {"x": x, "edge_index": edge_index, "W1": W1, "b1": b1, "W2": W2, "b2": b2, "Wfc": Wfc, "bfc": bfc}


def reference(x, edge_index, W1, b1, W2, b2, Wfc, bfc):
    h = jax.nn.relu(_gcn_conv(x, edge_index, W1, b1))
    h = jax.nn.relu(_gcn_conv(h, edge_index, W2, b2))
    g = jnp.mean(h, axis=0)
    return g @ Wfc + bfc

if __name__ == "__main__":
    import jax
    _d = setup_inputs()
    print(jax.jit(kernel)(*tuple(_d.values())))

</pallas_src>

<mosaic_0001>
#map = affine_map<(d0, d1) -> (0, 0)>
#map1 = affine_map<(d0, d1) -> (0, 0, 0)>
module attributes {stable_mosaic.version = 14 : i64} {
  func.func @_sc_agg(%arg0: i32, %arg1: i32, %arg2: memref<10000x128xf32, #tpu.memory_space<hbm>>, %arg3: memref<32x79x128xi32, #tpu.memory_space<hbm>>, %arg4: memref<32x79x128xi32, #tpu.memory_space<hbm>>, %arg5: memref<2x10112x128xf32, #tpu.memory_space<hbm>>, %arg6: memref<79x128xi32, #tpu.memory_space<vmem>>, %arg7: memref<79x128xi32, #tpu.memory_space<vmem>>, %arg8: memref<128x128xf32, #tpu.memory_space<vmem>>, %arg9: memref<10112x128xf32, #tpu.memory_space<vmem_shared>>, %arg10: memref<!tpu.dma_semaphore, #tpu.memory_space<semaphore_mem>>) attributes {dimension_semantics = [#tpu.dimension_semantics<core_parallel>, #tpu.dimension_semantics<subcore_parallel>], iteration_bounds = array<i64: 2, 16>, scalar_prefetch = 0 : i64, scratch_operands = 5 : i64, tpu.core_type = #tpu.core_type<sc_vector_subcore>, window_params = [{transform_indices = #map}, {transform_indices = #map1}, {transform_indices = #map1}, {transform_indices = #map1}]} {
    %mul3A = arith.constant 16 : i32
    %mul3A_0 = arith.muli %arg0, %mul3A : i32
    %add3A = arith.addi %mul3A_0, %arg1 : i32
    %broadcast_in_dim3A = arith.constant 0.000000e+00 : f32
    %broadcast_in_dim3A_1 = vector.broadcast %broadcast_in_dim3A : f32 to vector<16xf32>
    %scan3A = arith.constant 0 : i32
    %scan3A_2 = arith.constant 0 : i32
    %scan3A_3 = arith.constant 128 : i32
    %scan3A_4 = arith.addi %scan3A_2, %scan3A_3 : i32
    %scan3A_5 = arith.constant 1 : i32
    %scan3A_6 = scf.for %scan3A_33 = %scan3A_2 to %scan3A_4 step %scan3A_5 iter_args(%scan3A_34 = %scan3A) -> (i32)  : i32 {
      %swap3A = arith.index_cast %scan3A_33 : i32 to index
      %swap3A_35 = arith.constant 0 : index
      %swap3A_36 = tpu.vector_load %arg8[%swap3A, %swap3A_35] {strides = array<i32>} : memref<128x128xf32, #tpu.memory_space<vmem>>, vector<1x16xf32>,
      %swap3A_37 = vector.shape_cast %swap3A_36 : vector<1x16xf32> to vector<16xf32>
      %swap3A_38 = vector.shape_cast %broadcast_in_dim3A_1 : vector<16xf32> to vector<1x16xf32>
      tpu.vector_store %arg8[%swap3A, %swap3A_35], %swap3A_38 {strides = array<i32>} : memref<128x128xf32, #tpu.memory_space<vmem>>, vector<1x16xf32>,
      %swap3A_39 = arith.index_cast %scan3A_33 : i32 to index
      %swap3A_40 = arith.constant 16 : index
      %swap3A_41 = tpu.vector_load %arg8[%swap3A_39, %swap3A_40] {strides = array<i32>} : memref<128x128xf32, #tpu.memory_space<vmem>>, vector<1x16xf32>,
      %swap3A_42 = vector.shape_cast %swap3A_41 : vector<1x16xf32> to vector<16xf32>
      %swap3A_43 = vector.shape_cast %broadcast_in_dim3A_1 : vector<16xf32> to vector<1x16xf32>
      tpu.vector_store %arg8[%swap3A_39, %swap3A_40], %swap3A_43 {strides = array<i32>} : memref<128x128xf32, #tpu.memory_space<vmem>>, vector<1x16xf32>,
      %swap3A_44 = arith.index_cast %scan3A_33 : i32 to index
      %swap3A_45 = arith.constant 32 : index
      %swap3A_46 = tpu.vector_load %arg8[%swap3A_44, %swap3A_45] {strides = array<i32>} : memref<128x128xf32, #tpu.memory_space<vmem>>, vector<1x16xf32>,
      %swap3A_47 = vector.shape_cast %swap3A_46 : vector<1x16xf32> to vector<16xf32>
      %swap3A_48 = vector.shape_cast %broadcast_in_dim3A_1 : vector<16xf32> to vector<1x16xf32>
      tpu.vector_store %arg8[%swap3A_44, %swap3A_45], %swap3A_48 {strides = array<i32>} : memref<128x128xf32, #tpu.memory_space<vmem>>, vector<1x16xf32>,
      %swap3A_49 = arith.index_cast %scan3A_33 : i32 to index
      %swap3A_50 = arith.constant 48 : index
      %swap3A_51 = tpu.vector_load %arg8[%swap3A_49, %swap3A_50] {strides = array<i32>} : memref<128x128xf32, #tpu.memory_space<vmem>>, vector<1x16xf32>,
      %swap3A_52 = vector.shape_cast %swap3A_51 : vector<1x16xf32> to vector<16xf32>
      %swap3A_53 = vector.shape_cast %broadcast_in_dim3A_1 : vector<16xf32> to vector<1x16xf32>
      tpu.vector_store %arg8[%swap3A_49, %swap3A_50], %swap3A_53 {strides = array<i32>} : memref<128x128xf32, #tpu.memory_space<vmem>>, vector<1x16xf32>,
      %swap3A_54 = arith.index_cast %scan3A_33 : i32 to index
      %swap3A_55 = arith.constant 64 : index
      %swap3A_56 = tpu.vector_load %arg8[%swap3A_54, %swap3A_55] {strides = array<i32>} : memref<128x128xf32, #tpu.memory_space<vmem>>, vector<1x16xf32>,
      %swap3A_57 = vector.shape_cast %swap3A_56 : vector<1x16xf32> to vector<16xf32>
      %swap3A_58 = vector.shape_cast %broadcast_in_dim3A_1 : vector<16xf32> to vector<1x16xf32>
      tpu.vector_store %arg8[%swap3A_54, %swap3A_55], %swap3A_58 {strides = array<i32>} : memref<128x128xf32, #tpu.memory_space<vmem>>, vector<1x16xf32>,
      %swap3A_59 = arith.index_cast %scan3A_33 : i32 to index
      %swap3A_60 = arith.constant 80 : index
      %swap3A_61 = tpu.vector_load %arg8[%swap3A_59, %swap3A_60] {strides = array<i32>} : memref<128x128xf32, #tpu.memory_space<vmem>>, vector<1x16xf32>,
      %swap3A_62 = vector.shape_cast %swap3A_61 : vector<1x16xf32> to vector<16xf32>
      %swap3A_63 = vector.shape_cast %broadcast_in_dim3A_1 : vector<16xf32> to vector<1x16xf32>
      tpu.vector_store %arg8[%swap3A_59, %swap3A_60], %swap3A_63 {strides = array<i32>} : memref<128x128xf32, #tpu.memory_space<vmem>>, vector<1x16xf32>,
      %swap3A_64 = arith.index_cast %scan3A_33 : i32 to index
      %swap3A_65 = arith.constant 96 : index
      %swap3A_66 = tpu.vector_load %arg8[%swap3A_64, %swap3A_65] {strides = array<i32>} : memref<128x128xf32, #tpu.memory_space<vmem>>, vector<1x16xf32>,
      %swap3A_67 = vector.shape_cast %swap3A_66 : vector<1x16xf32> to vector<16xf32>
      %swap3A_68 = vector.shape_cast %broadcast_in_dim3A_1 : vector<16xf32> to vector<1x16xf32>
      tpu.vector_store %arg8[%swap3A_64, %swap3A_65], %swap3A_68 {strides = array<i32>} : memref<128x128xf32, #tpu.memory_space<vmem>>, vector<1x16xf32>,
      %swap3A_69 = arith.index_cast %scan3A_33 : i32 to index
      %swap3A_70 = arith.constant 112 : index
      %swap3A_71 = tpu.vector_load %arg8[%swap3A_69, %swap3A_70] {strides = array<i32>} : memref<128x128xf32, #tpu.memory_space<vmem>>, vector<1x16xf32>,
      %swap3A_72 = vector.shape_cast %swap3A_71 : vector<1x16xf32> to vector<16xf32>
      %swap3A_73 = vector.shape_cast %broadcast_in_dim3A_1 : vector<16xf32> to vector<1x16xf32>
      tpu.vector_store %arg8[%swap3A_69, %swap3A_70], %swap3A_73 {strides = array<i32>} : memref<128x128xf32, #tpu.memory_space<vmem>>, vector<1x16xf32>,
      %scan3A_74 = arith.constant 0 : i32
      scf.yield %scan3A_74 : i32
    }
    %scan3A_7 = arith.constant 128 : i32
    %mul3A_8 = arith.constant 632 : i32
    %mul3A_9 = arith.muli %arg1, %mul3A_8 : i32
    %add3A_10 = arith.constant 0 : i32
    %add3A_11 = arith.addi %mul3A_9, %add3A_10 : i32
    "tpu.region"() ({
      %run_scoped3A = tpu.sem_alloc : memref<!tpu.dma_semaphore, #tpu.memory_space<semaphore_mem>>
      %dma_start3A = arith.constant 0 : i32
      %dma_start3A_33 = tpu.memref_slice %arg9[%add3A_11, %dma_start3A] : memref<10112x128xf32, #tpu.memory_space<vmem_shared>> -> memref<128x128xf32, #tpu.memory_space<vmem_shared>>
      %dma_start3A_34 = arith.constant 0 : i32
      %dma_start3A_35 = tpu.memref_slice %arg9[%add3A_11, %dma_start3A_34] : memref<10112x128xf32, #tpu.memory_space<vmem_shared>> -> memref<128x128xf32, #tpu.memory_space<vmem_shared>>
      tpu.enqueue_dma source(%arg8 : memref<128x128xf32, #tpu.memory_space<vmem>>) target(%dma_start3A_35 : memref<128x128xf32, #tpu.memory_space<vmem_shared>>) target_semaphore(%run_scoped3A : memref<!tpu.dma_semaphore, #tpu.memory_space<semaphore_mem>>)
      %dma_wait3A = arith.constant 0 : i32
      %dma_wait3A_36 = tpu.memref_slice %arg9[%add3A_11, %dma_wait3A] : memref<10112x128xf32, #tpu.memory_space<vmem_shared>> -> memref<128x128xf32, #tpu.memory_space<vmem_shared>>
      %dma_wait3A_37 = arith.constant 0 : i32
      %dma_wait3A_38 = tpu.memref_slice %arg9[%add3A_11, %dma_wait3A_37] : memref<10112x128xf32, #tpu.memory_space<vmem_shared>> -> memref<128x128xf32, #tpu.memory_space<vmem_shared>>
      tpu.wait_dma2 semaphore(%run_scoped3A : memref<!tpu.dma_semaphore, #tpu.memory_space<semaphore_mem>>) src(%arg8 : memref<128x128xf32, #tpu.memory_space<vmem>>) dst(%dma_wait3A_38 : memref<128x128xf32, #tpu.memory_space<vmem_shared>>)
      tpu.yield
    }) : () -> ()
    %add3A_12 = arith.constant 128 : i32
    %add3A_13 = arith.addi %mul3A_9, %add3A_12 : i32
    "tpu.region"() ({
      %run_scoped3A = tpu.sem_alloc : memref<!tpu.dma_semaphore, #tpu.memory_space<semaphore_mem>>
      %dma_start3A = arith.constant 0 : i32
      %dma_start3A_33 = tpu.memref_slice %arg9[%add3A_13, %dma_start3A] : memref<10112x128xf32, #tpu.memory_space<vmem_shared>> -> memref<128x128xf32, #tpu.memory_space<vmem_shared>>
      %dma_start3A_34 = arith.constant 0 : i32
      %dma_start3A_35 = tpu.memref_slice %arg9[%add3A_13, %dma_start3A_34] : memref<10112x128xf32, #tpu.memory_space<vmem_shared>> -> memref<128x128xf32, #tpu.memory_space<vmem_shared>>
      tpu.enqueue_dma source(%arg8 : memref<128x128xf32, #tpu.memory_space<vmem>>) target(%dma_start3A_35 : memref<128x128xf32, #tpu.memory_space<vmem_shared>>) target_semaphore(%run_scoped3A : memref<!tpu.dma_semaphore, #tpu.memory_space<semaphore_mem>>)
      %dma_wait3A = arith.constant 0 : i32
      %dma_wait3A_36 = tpu.memref_slice %arg9[%add3A_13, %dma_wait3A] : memref<10112x128xf32, #tpu.memory_space<vmem_shared>> -> memref<128x128xf32, #tpu.memory_space<vmem_shared>>
      %dma_wait3A_37 = arith.constant 0 : i32
      %dma_wait3A_38 = tpu.memref_slice %arg9[%add3A_13, %dma_wait3A_37] : memref<10112x128xf32, #tpu.memory_space<vmem_shared>> -> memref<128x128xf32, #tpu.memory_space<vmem_shared>>
      tpu.wait_dma2 semaphore(%run_scoped3A : memref<!tpu.dma_semaphore, #tpu.memory_space<semaphore_mem>>) src(%arg8 : memref<128x128xf32, #tpu.memory_space<vmem>>) dst(%dma_wait3A_38 : memref<128x128xf32, #tpu.memory_space<vmem_shared>>)
      tpu.yield
    }) : () -> ()
    %add3A_14 = arith.constant 256 : i32
    %add3A_15 = arith.addi %mul3A_9, %add3A_14 : i32
    "tpu.region"() ({
      %run_scoped3A = tpu.sem_alloc : memref<!tpu.dma_semaphore, #tpu.memory_space<semaphore_mem>>
      %dma_start3A = arith.constant 0 : i32
      %dma_start3A_33 = tpu.memref_slice %arg9[%add3A_15, %dma_start3A] : memref<10112x128xf32, #tpu.memory_space<vmem_shared>> -> memref<128x128xf32, #tpu.memory_space<vmem_shared>>
      %dma_start3A_34 = arith.constant 0 : i32
      %dma_start3A_35 = tpu.memref_slice %arg9[%add3A_15, %dma_start3A_34] : memref<10112x128xf32, #tpu.memory_space<vmem_shared>> -> memref<128x128xf32, #tpu.memory_space<vmem_shared>>
      tpu.enqueue_dma source(%arg8 : memref<128x128xf32, #tpu.memory_space<vmem>>) target(%dma_start3A_35 : memref<128x128xf32, #tpu.memory_space<vmem_shared>>) target_semaphore(%run_scoped3A : memref<!tpu.dma_semaphore, #tpu.memory_space<semaphore_mem>>)
      %dma_wait3A = arith.constant 0 : i32
      %dma_wait3A_36 = tpu.memref_slice %arg9[%add3A_15, %dma_wait3A] : memref<10112x128xf32, #tpu.memory_space<vmem_shared>> -> memref<128x128xf32, #tpu.memory_space<vmem_shared>>
      %dma_wait3A_37 = arith.constant 0 : i32
      %dma_wait3A_38 = tpu.memref_slice %arg9[%add3A_15, %dma_wait3A_37] : memref<10112x128xf32, #tpu.memory_space<vmem_shared>> -> memref<128x128xf32, #tpu.memory_space<vmem_shared>>
      tpu.wait_dma2 semaphore(%run_scoped3A : memref<!tpu.dma_semaphore, #tpu.memory_space<semaphore_mem>>) src(%arg8 : memref<128x128xf32, #tpu.memory_space<vmem>>) dst(%dma_wait3A_38 : memref<128x128xf32, #tpu.memory_space<vmem_shared>>)
      tpu.yield
    }) : () -> ()
    %add3A_16 = arith.constant 384 : i32
    %add3A_17 = arith.addi %mul3A_9, %add3A_16 : i32
    "tpu.region"() ({
      %run_scoped3A = tpu.sem_alloc : memref<!tpu.dma_semaphore, #tpu.memory_space<semaphore_mem>>
      %dma_start3A = arith.constant 0 : i32
      %dma_start3A_33 = tpu.memref_slice %arg9[%add3A_17, %dma_start3A] : memref<10112x128xf32, #tpu.memory_space<vmem_shared>> -> memref<128x128xf32, #tpu.memory_space<vmem_shared>>
      %dma_start3A_34 = arith.constant 0 : i32
      %dma_start3A_35 = tpu.memref_slice %arg9[%add3A_17, %dma_start3A_34] : memref<10112x128xf32, #tpu.memory_space<vmem_shared>> -> memref<128x128xf32, #tpu.memory_space<vmem_shared>>
      tpu.enqueue_dma source(%arg8 : memref<128x128xf32, #tpu.memory_space<vmem>>) target(%dma_start3A_35 : memref<128x128xf32, #tpu.memory_space<vmem_shared>>) target_semaphore(%run_scoped3A : memref<!tpu.dma_semaphore, #tpu.memory_space<semaphore_mem>>)
      %dma_wait3A = arith.constant 0 : i32
      %dma_wait3A_36 = tpu.memref_slice %arg9[%add3A_17, %dma_wait3A] : memref<10112x128xf32, #tpu.memory_space<vmem_shared>> -> memref<128x128xf32, #tpu.memory_space<vmem_shared>>
      %dma_wait3A_37 = arith.constant 0 : i32
      %dma_wait3A_38 = tpu.memref_slice %arg9[%add3A_17, %dma_wait3A_37] : memref<10112x128xf32, #tpu.memory_space<vmem_shared>> -> memref<128x128xf32, #tpu.memory_space<vmem_shared>>
      tpu.wait_dma2 semaphore(%run_scoped3A : memref<!tpu.dma_semaphore, #tpu.memory_space<semaphore_mem>>) src(%arg8 : memref<128x128xf32, #tpu.memory_space<vmem>>) dst(%dma_wait3A_38 : memref<128x128xf32, #tpu.memory_space<vmem_shared>>)
      tpu.yield
    }) : () -> ()
    %add3A_18 = arith.constant 632 : i32
    %add3A_19 = arith.addi %mul3A_9, %add3A_18 : i32
    %sub3A = arith.constant 128 : i32
    %sub3A_20 = arith.subi %add3A_19, %sub3A : i32
    "tpu.region"() ({
      %run_scoped3A = tpu.sem_alloc : memref<!tpu.dma_semaphore, #tpu.memory_space<semaphore_mem>>
      %dma_start3A = arith.constant 0 : i32
      %dma_start3A_33 = tpu.memref_slice %arg9[%sub3A_20, %dma_start3A] : memref<10112x128xf32, #tpu.memory_space<vmem_shared>> -> memref<128x128xf32, #tpu.memory_space<vmem_shared>>
      %dma_start3A_34 = arith.constant 0 : i32
      %dma_start3A_35 = tpu.memref_slice %arg9[%sub3A_20, %dma_start3A_34] : memref<10112x128xf32, #tpu.memory_space<vmem_shared>> -> memref<128x128xf32, #tpu.memory_space<vmem_shared>>
      tpu.enqueue_dma source(%arg8 : memref<128x128xf32, #tpu.memory_space<vmem>>) target(%dma_start3A_35 : memref<128x128xf32, #tpu.memory_space<vmem_shared>>) target_semaphore(%run_scoped3A : memref<!tpu.dma_semaphore, #tpu.memory_space<semaphore_mem>>)
      %dma_wait3A = arith.constant 0 : i32
      %dma_wait3A_36 = tpu.memref_slice %arg9[%sub3A_20, %dma_wait3A] : memref<10112x128xf32, #tpu.memory_space<vmem_shared>> -> memref<128x128xf32, #tpu.memory_space<vmem_shared>>
      %dma_wait3A_37 = arith.constant 0 : i32
      %dma_wait3A_38 = tpu.memref_slice %arg9[%sub3A_20, %dma_wait3A_37] : memref<10112x128xf32, #tpu.memory_space<vmem_shared>> -> memref<128x128xf32, #tpu.memory_space<vmem_shared>>
      tpu.wait_dma2 semaphore(%run_scoped3A : memref<!tpu.dma_semaphore, #tpu.memory_space<semaphore_mem>>) src(%arg8 : memref<128x128xf32, #tpu.memory_space<vmem>>) dst(%dma_wait3A_38 : memref<128x128xf32, #tpu.memory_space<vmem_shared>>)
      tpu.yield
    }) : () -> ()
    %barrier3A = arith.constant 0 : index
    tpu.barrier barrier_id(%barrier3A)
    "tpu.region"() ({
      %run_scoped3A = tpu.sem_alloc : memref<!tpu.dma_semaphore, #tpu.memory_space<semaphore_mem>>
      %dma_start3A = arith.constant 0 : i32
      %dma_start3A_33 = arith.constant 0 : i32
      %dma_start3A_34 = tpu.memref_slice %arg3[%add3A, %dma_start3A, %dma_start3A_33] : memref<32x79x128xi32, #tpu.memory_space<hbm>> -> memref<1x79x128xi32, #tpu.memory_space<hbm>>
      %dma_start3A_35 = tpu.memref_squeeze %dma_start3A_34 : memref<1x79x128xi32, #tpu.memory_space<hbm>> -> memref<79x128xi32, #tpu.memory_space<hbm>>
      %dma_start3A_36 = arith.constant 0 : i32
      %dma_start3A_37 = arith.constant 0 : i32
      %dma_start3A_38 = tpu.memref_slice %arg3[%add3A, %dma_start3A_36, %dma_start3A_37] : memref<32x79x128xi32, #tpu.memory_space<hbm>> -> memref<1x79x128xi32, #tpu.memory_space<hbm>>
      %dma_start3A_39 = tpu.memref_squeeze %dma_start3A_38 : memref<1x79x128xi32, #tpu.memory_space<hbm>> -> memref<79x128xi32, #tpu.memory_space<hbm>>
      tpu.enqueue_dma source(%dma_start3A_39 : memref<79x128xi32, #tpu.memory_space<hbm>>) target(%arg6 : memref<79x128xi32, #tpu.memory_space<vmem>>) target_semaphore(%run_scoped3A : memref<!tpu.dma_semaphore, #tpu.memory_space<semaphore_mem>>)
      %dma_wait3A = arith.constant 0 : i32
      %dma_wait3A_40 = arith.constant 0 : i32
      %dma_wait3A_41 = tpu.memref_slice %arg3[%add3A, %dma_wait3A, %dma_wait3A_40] : memref<32x79x128xi32, #tpu.memory_space<hbm>> -> memref<1x79x128xi32, #tpu.memory_space<hbm>>
      %dma_wait3A_42 = tpu.memref_squeeze %dma_wait3A_41 : memref<1x79x128xi32, #tpu.memory_space<hbm>> -> memref<79x128xi32, #tpu.memory_space<hbm>>
      %dma_wait3A_43 = arith.constant 0 : i32
      %dma_wait3A_44 = arith.constant 0 : i32
      %dma_wait3A_45 = tpu.memref_slice %arg3[%add3A, %dma_wait3A_43, %dma_wait3A_44] : memref<32x79x128xi32, #tpu.memory_space<hbm>> -> memref<1x79x128xi32, #tpu.memory_space<hbm>>
      %dma_wait3A_46 = tpu.memref_squeeze %dma_wait3A_45 : memref<1x79x128xi32, #tpu.memory_space<hbm>> -> memref<79x128xi32, #tpu.memory_space<hbm>>
      tpu.wait_dma2 semaphore(%run_scoped3A : memref<!tpu.dma_semaphore, #tpu.memory_space<semaphore_mem>>) src(%dma_wait3A_46 : memref<79x128xi32, #tpu.memory_space<hbm>>) dst(%arg6 : memref<79x128xi32, #tpu.memory_space<vmem>>)
      tpu.yield
    }) : () -> ()
    "tpu.region"() ({
      %run_scoped3A = tpu.sem_alloc : memref<!tpu.dma_semaphore, #tpu.memory_space<semaphore_mem>>
      %dma_start3A = arith.constant 0 : i32
      %dma_start3A_33 = arith.constant 0 : i32
      %dma_start3A_34 = tpu.memref_slice %arg4[%add3A, %dma_start3A, %dma_start3A_33] : memref<32x79x128xi32, #tpu.memory_space<hbm>> -> memref<1x79x128xi32, #tpu.memory_space<hbm>>
      %dma_start3A_35 = tpu.memref_squeeze %dma_start3A_34 : memref<1x79x128xi32, #tpu.memory_space<hbm>> -> memref<79x128xi32, #tpu.memory_space<hbm>>
      %dma_start3A_36 = arith.constant 0 : i32
      %dma_start3A_37 = arith.constant 0 : i32
      %dma_start3A_38 = tpu.memref_slice %arg4[%add3A, %dma_start3A_36, %dma_start3A_37] : memref<32x79x128xi32, #tpu.memory_space<hbm>> -> memref<1x79x128xi32, #tpu.memory_space<hbm>>
      %dma_start3A_39 = tpu.memref_squeeze %dma_start3A_38 : memref<1x79x128xi32, #tpu.memory_space<hbm>> -> memref<79x128xi32, #tpu.memory_space<hbm>>
      tpu.enqueue_dma source(%dma_start3A_39 : memref<79x128xi32, #tpu.memory_space<hbm>>) target(%arg7 : memref<79x128xi32, #tpu.memory_space<vmem>>) target_semaphore(%run_scoped3A : memref<!tpu.dma_semaphore, #tpu.memory_space<semaphore_mem>>)
      %dma_wait3A = arith.constant 0 : i32
      %dma_wait3A_40 = arith.constant 0 : i32
      %dma_wait3A_41 = tpu.memref_slice %arg4[%add3A, %dma_wait3A, %dma_wait3A_40] : memref<32x79x128xi32, #tpu.memory_space<hbm>> -> memref<1x79x128xi32, #tpu.memory_space<hbm>>
      %dma_wait3A_42 = tpu.memref_squeeze %dma_wait3A_41 : memref<1x79x128xi32, #tpu.memory_space<hbm>> -> memref<79x128xi32, #tpu.memory_space<hbm>>
      %dma_wait3A_43 = arith.constant 0 : i32
      %dma_wait3A_44 = arith.constant 0 : i32
      %dma_wait3A_45 = tpu.memref_slice %arg4[%add3A, %dma_wait3A_43, %dma_wait3A_44] : memref<32x79x128xi32, #tpu.memory_space<hbm>> -> memref<1x79x128xi32, #tpu.memory_space<hbm>>
      %dma_wait3A_46 = tpu.memref_squeeze %dma_wait3A_45 : memref<1x79x128xi32, #tpu.memory_space<hbm>> -> memref<79x128xi32, #tpu.memory_space<hbm>>
      tpu.wait_dma2 semaphore(%run_scoped3A : memref<!tpu.dma_semaphore, #tpu.memory_space<semaphore_mem>>) src(%dma_wait3A_46 : memref<79x128xi32, #tpu.memory_space<hbm>>) dst(%arg7 : memref<79x128xi32, #tpu.memory_space<vmem>>)
      tpu.yield
    }) : () -> ()
    %scan3A_21 = arith.constant 0 : i32
    %scan3A_22 = arith.constant 0 : i32
    %scan3A_23 = arith.constant 79 : i32
    %scan3A_24 = arith.addi %scan3A_22, %scan3A_23 : i32
    %scan3A_25 = arith.constant 1 : i32
    %scan3A_26 = scf.for %scan3A_33 = %scan3A_22 to %scan3A_24 step %scan3A_25 iter_args(%scan3A_34 = %scan3A_21) -> (i32)  : i32 {
      %dma_start3A = arith.constant 0 : i32
      %dma_start3A_35 = tpu.memref_slice %arg6[%scan3A_33, %dma_start3A] : memref<79x128xi32, #tpu.memory_space<vmem>> -> memref<1x128xi32, #tpu.memory_space<vmem>>
      %dma_start3A_36 = tpu.memref_squeeze %dma_start3A_35 : memref<1x128xi32, #tpu.memory_space<vmem>> -> memref<128xi32, #tpu.memory_space<vmem>>
      %dma_start3A_37 = arith.constant 0 : i32
      %dma_start3A_38 = arith.constant 0 : i32
      %dma_start3A_39 = tpu.memref_slice %arg2[%dma_start3A_37, %dma_start3A_38] : memref<10000x128xf32, #tpu.memory_space<hbm>> -> memref<10000x128xf32, #tpu.memory_space<hbm>>
      tpu.enqueue_indirect_dma source(%dma_start3A_39 : memref<10000x128xf32, #tpu.memory_space<hbm>>) target(%arg8 : memref<128x128xf32, #tpu.memory_space<vmem>>) offsets(%dma_start3A_36 : memref<128xi32, #tpu.memory_space<vmem>>) semaphore(%arg10 : memref<!tpu.dma_semaphore, #tpu.memory_space<semaphore_mem>>)
      %dma_wait3A = arith.constant 0 : i32
      %dma_wait3A_40 = tpu.memref_slice %arg6[%scan3A_33, %dma_wait3A] : memref<79x128xi32, #tpu.memory_space<vmem>> -> memref<1x128xi32, #tpu.memory_space<vmem>>
      %dma_wait3A_41 = tpu.memref_squeeze %dma_wait3A_40 : memref<1x128xi32, #tpu.memory_space<vmem>> -> memref<128xi32, #tpu.memory_space<vmem>>
      %dma_wait3A_42 = arith.constant 0 : i32
      %dma_wait3A_43 = arith.constant 0 : i32
      %dma_wait3A_44 = tpu.memref_slice %arg2[%dma_wait3A_42, %dma_wait3A_43] : memref<10000x128xf32, #tpu.memory_space<hbm>> -> memref<10000x128xf32, #tpu.memory_space<hbm>>
      tpu.wait_indirect_dma semaphore(%arg10 : memref<!tpu.dma_semaphore, #tpu.memory_space<semaphore_mem>>) src(%dma_wait3A_44 : memref<10000x128xf32, #tpu.memory_space<hbm>>) dst(%arg8 : memref<128x128xf32, #tpu.memory_space<vmem>>)
      "tpu.region"() ({
        %run_scoped3A = tpu.sem_alloc : memref<!tpu.dma_semaphore, #tpu.memory_space<semaphore_mem>>
        %dma_start3A_46 = arith.constant 0 : i32
        %dma_start3A_47 = tpu.memref_slice %arg7[%scan3A_33, %dma_start3A_46] : memref<79x128xi32, #tpu.memory_space<vmem>> -> memref<1x128xi32, #tpu.memory_space<vmem>>
        %dma_start3A_48 = tpu.memref_squeeze %dma_start3A_47 : memref<1x128xi32, #tpu.memory_space<vmem>> -> memref<128xi32, #tpu.memory_space<vmem>>
        %dma_start3A_49 = arith.constant 0 : i32
        %dma_start3A_50 = arith.constant 0 : i32
        %dma_start3A_51 = tpu.memref_slice %arg9[%dma_start3A_49, %dma_start3A_50] : memref<10112x128xf32, #tpu.memory_space<vmem_shared>> -> memref<10112x128xf32, #tpu.memory_space<vmem_shared>>
        tpu.enqueue_indirect_dma source(%arg8 : memref<128x128xf32, #tpu.memory_space<vmem>>) target(%dma_start3A_51 : memref<10112x128xf32, #tpu.memory_space<vmem_shared>>) offsets(%dma_start3A_48 : memref<128xi32, #tpu.memory_space<vmem>>) semaphore(%run_scoped3A : memref<!tpu.dma_semaphore, #tpu.memory_space<semaphore_mem>>) {add = true}
        %dma_wait3A_52 = arith.constant 0 : i32
        %dma_wait3A_53 = tpu.memref_slice %arg7[%scan3A_33, %dma_wait3A_52] : memref<79x128xi32, #tpu.memory_space<vmem>> -> memref<1x128xi32, #tpu.memory_space<vmem>>
        %dma_wait3A_54 = tpu.memref_squeeze %dma_wait3A_53 : memref<1x128xi32, #tpu.memory_space<vmem>> -> memref<128xi32, #tpu.memory_space<vmem>>
        %dma_wait3A_55 = arith.constant 0 : i32
        %dma_wait3A_56 = arith.constant 0 : i32
        %dma_wait3A_57 = tpu.memref_slice %arg9[%dma_wait3A_55, %dma_wait3A_56] : memref<10112x128xf32, #tpu.memory_space<vmem_shared>> -> memref<10112x128xf32, #tpu.memory_space<vmem_shared>>
        tpu.wait_indirect_dma semaphore(%run_scoped3A : memref<!tpu.dma_semaphore, #tpu.memory_space<semaphore_mem>>) src(%arg8 : memref<128x128xf32, #tpu.memory_space<vmem>>) dst(%dma_wait3A_57 : memref<10112x128xf32, #tpu.memory_space<vmem_shared>>)
        tpu.yield
      }) : () -> ()
      %scan3A_45 = arith.constant 0 : i32
      scf.yield %scan3A_45 : i32
    }
    %scan3A_27 = arith.constant 79 : i32
    %barrier3A_28 = arith.constant 0 : index
    tpu.barrier barrier_id(%barrier3A_28)
    %mul3A_29 = arith.constant 632 : i32
    %mul3A_30 = arith.muli %arg1, %mul3A_29 : i32
    %mul3A_31 = arith.constant 632 : i32
    %mul3A_32 = arith.muli %arg1, %mul3A_31 : i32
    "tpu.region"() ({
      %run_scoped3A = tpu.sem_alloc : memref<!tpu.dma_semaphore, #tpu.memory_space<semaphore_mem>>
      %dma_start3A = arith.constant 0 : i32
      %dma_start3A_33 = tpu.memref_slice %arg5[%arg0, %mul3A_32, %dma_start3A] : memref<2x10112x128xf32, #tpu.memory_space<hbm>> -> memref<1x632x128xf32, #tpu.memory_space<hbm>>
      %dma_start3A_34 = tpu.memref_squeeze %dma_start3A_33 : memref<1x632x128xf32, #tpu.memory_space<hbm>> -> memref<632x128xf32, #tpu.memory_space<hbm>>
      %dma_start3A_35 = arith.constant 0 : i32
      %dma_start3A_36 = tpu.memref_slice %arg9[%mul3A_30, %dma_start3A_35] : memref<10112x128xf32, #tpu.memory_space<vmem_shared>> -> memref<632x128xf32, #tpu.memory_space<vmem_shared>>
      tpu.enqueue_dma source(%dma_start3A_36 : memref<632x128xf32, #tpu.memory_space<vmem_shared>>) target(%dma_start3A_34 : memref<632x128xf32, #tpu.memory_space<hbm>>) target_semaphore(%run_scoped3A : memref<!tpu.dma_semaphore, #tpu.memory_space<semaphore_mem>>)
      %dma_wait3A = arith.constant 0 : i32
      %dma_wait3A_37 = tpu.memref_slice %arg5[%arg0, %mul3A_32, %dma_wait3A] : memref<2x10112x128xf32, #tpu.memory_space<hbm>> -> memref<1x632x128xf32, #tpu.memory_space<hbm>>
      %dma_wait3A_38 = tpu.memref_squeeze %dma_wait3A_37 : memref<1x632x128xf32, #tpu.memory_space<hbm>> -> memref<632x128xf32, #tpu.memory_space<hbm>>
      %dma_wait3A_39 = arith.constant 0 : i32
      %dma_wait3A_40 = tpu.memref_slice %arg9[%mul3A_30, %dma_wait3A_39] : memref<10112x128xf32, #tpu.memory_space<vmem_shared>> -> memref<632x128xf32, #tpu.memory_space<vmem_shared>>
      tpu.wait_dma2 semaphore(%run_scoped3A : memref<!tpu.dma_semaphore, #tpu.memory_space<semaphore_mem>>) src(%dma_wait3A_40 : memref<632x128xf32, #tpu.memory_space<vmem_shared>>) dst(%dma_wait3A_38 : memref<632x128xf32, #tpu.memory_space<hbm>>)
      tpu.yield
    }) : () -> ()
    return
  }
}

#map = affine_map<(d0, d1) -> (0, 0, 0)>
#map1 = affine_map<(d0, d1) -> (0, 0)>
module attributes {stable_mosaic.version = 14 : i64} {
  func.func @_sc_degree(%arg0: i32, %arg1: i32, %arg2: memref<32x79x128xi32, #tpu.memory_space<hbm>>, %arg3: memref<2x10240xf32, #tpu.memory_space<hbm>>, %arg4: memref<79x128xi32, #tpu.memory_space<vmem>>, %arg5: memref<128xf32, #tpu.memory_space<vmem>>, %arg6: memref<128xf32, #tpu.memory_space<vmem>>, %arg7: memref<10240xf32, #tpu.memory_space<vmem_shared>>) attributes {dimension_semantics = [#tpu.dimension_semantics<core_parallel>, #tpu.dimension_semantics<subcore_parallel>], iteration_bounds = array<i64: 2, 16>, scalar_prefetch = 0 : i64, scratch_operands = 4 : i64, tpu.core_type = #tpu.core_type<sc_vector_subcore>, window_params = [{transform_indices = #map}, {transform_indices = #map1}]} {
    %mul3A = arith.constant 16 : i32
    %mul3A_0 = arith.muli %arg0, %mul3A : i32
    %add3A = arith.addi %mul3A_0, %arg1 : i32
    %broadcast_in_dim3A = arith.constant 1.000000e+00 : f32
    %broadcast_in_dim3A_1 = vector.broadcast %broadcast_in_dim3A : f32 to vector<16xf32>
    %broadcast_in_dim3A_2 = arith.constant 0.000000e+00 : f32
    %broadcast_in_dim3A_3 = vector.broadcast %broadcast_in_dim3A_2 : f32 to vector<16xf32>
    %swap3A = arith.constant 0 : index
    %swap3A_4 = tpu.vector_load %arg5[%swap3A] {strides = array<i32>} : memref<128xf32, #tpu.memory_space<vmem>>, vector<16xf32>,
    %swap3A_5 = vector.shape_cast %swap3A_4 : vector<16xf32> to vector<16xf32>
    %swap3A_6 = vector.shape_cast %broadcast_in_dim3A_1 : vector<16xf32> to vector<16xf32>
    tpu.vector_store %arg5[%swap3A], %swap3A_6 {strides = array<i32>} : memref<128xf32, #tpu.memory_space<vmem>>, vector<16xf32>,
    %swap3A_7 = arith.constant 0 : index
    %swap3A_8 = tpu.vector_load %arg6[%swap3A_7] {strides = array<i32>} : memref<128xf32, #tpu.memory_space<vmem>>, vector<16xf32>,
    %swap3A_9 = vector.shape_cast %swap3A_8 : vector<16xf32> to vector<16xf32>
    %swap3A_10 = vector.shape_cast %broadcast_in_dim3A_3 : vector<16xf32> to vector<16xf32>
    tpu.vector_store %arg6[%swap3A_7], %swap3A_10 {strides = array<i32>} : memref<128xf32, #tpu.memory_space<vmem>>, vector<16xf32>,
    %swap3A_11 = arith.constant 16 : index
    %swap3A_12 = tpu.vector_load %arg5[%swap3A_11] {strides = array<i32>} : memref<128xf32, #tpu.memory_space<vmem>>, vector<16xf32>,
    %swap3A_13 = vector.shape_cast %swap3A_12 : vector<16xf32> to vector<16xf32>
    %swap3A_14 = vector.shape_cast %broadcast_in_dim3A_1 : vector<16xf32> to vector<16xf32>
    tpu.vector_store %arg5[%swap3A_11], %swap3A_14 {strides = array<i32>} : memref<128xf32, #tpu.memory_space<vmem>>, vector<16xf32>,
    %swap3A_15 = arith.constant 16 : index
    %swap3A_16 = tpu.vector_load %arg6[%swap3A_15] {strides = array<i32>} : memref<128xf32, #tpu.memory_space<vmem>>, vector<16xf32>,
    %swap3A_17 = vector.shape_cast %swap3A_16 : vector<16xf32> to vector<16xf32>
    %swap3A_18 = vector.shape_cast %broadcast_in_dim3A_3 : vector<16xf32> to vector<16xf32>
    tpu.vector_store %arg6[%swap3A_15], %swap3A_18 {strides = array<i32>} : memref<128xf32, #tpu.memory_space<vmem>>, vector<16xf32>,
    %swap3A_19 = arith.constant 32 : index
    %swap3A_20 = tpu.vector_load %arg5[%swap3A_19] {strides = array<i32>} : memref<128xf32, #tpu.memory_space<vmem>>, vector<16xf32>,
    %swap3A_21 = vector.shape_cast %swap3A_20 : vector<16xf32> to vector<16xf32>
    %swap3A_22 = vector.shape_cast %broadcast_in_dim3A_1 : vector<16xf32> to vector<16xf32>
    tpu.vector_store %arg5[%swap3A_19], %swap3A_22 {strides = array<i32>} : memref<128xf32, #tpu.memory_space<vmem>>, vector<16xf32>,
    %swap3A_23 = arith.constant 32 : index
    %swap3A_24 = tpu.vector_load %arg6[%swap3A_23] {strides = array<i32>} : memref<128xf32, #tpu.memory_space<vmem>>, vector<16xf32>,
    %swap3A_25 = vector.shape_cast %swap3A_24 : vector<16xf32> to vector<16xf32>
    %swap3A_26 = vector.shape_cast %broadcast_in_dim3A_3 : vector<16xf32> to vector<16xf32>
    tpu.vector_store %arg6[%swap3A_23], %swap3A_26 {strides = array<i32>} : memref<128xf32, #tpu.memory_space<vmem>>, vector<16xf32>,
    %swap3A_27 = arith.constant 48 : index
    %swap3A_28 = tpu.vector_load %arg5[%swap3A_27] {strides = array<i32>} : memref<128xf32, #tpu.memory_space<vmem>>, vector<16xf32>,
    %swap3A_29 = vector.shape_cast %swap3A_28 : vector<16xf32> to vector<16xf32>
    %swap3A_30 = vector.shape_cast %broadcast_in_dim3A_1 : vector<16xf32> to vector<16xf32>
    tpu.vector_store %arg5[%swap3A_27], %swap3A_30 {strides = array<i32>} : memref<128xf32, #tpu.memory_space<vmem>>, vector<16xf32>,
    %swap3A_31 = arith.constant 48 : index
    %swap3A_32 = tpu.vector_load %arg6[%swap3A_31] {strides = array<i32>} : memref<128xf32, #tpu.memory_space<vmem>>, vector<16xf32>,
    %swap3A_33 = vector.shape_cast %swap3A_32 : vector<16xf32> to vector<16xf32>
    %swap3A_34 = vector.shape_cast %broadcast_in_dim3A_3 : vector<16xf32> to vector<16xf32>
    tpu.vector_store %arg6[%swap3A_31], %swap3A_34 {strides = array<i32>} : memref<128xf32, #tpu.memory_space<vmem>>, vector<16xf32>,
    %swap3A_35 = arith.constant 64 : index
    %swap3A_36 = tpu.vector_load %arg5[%swap3A_35] {strides = array<i32>} : memref<128xf32, #tpu.memory_space<vmem>>, vector<16xf32>,
    %swap3A_37 = vector.shape_cast %swap3A_36 : vector<16xf32> to vector<16xf32>
    %swap3A_38 = vector.shape_cast %broadcast_in_dim3A_1 : vector<16xf32> to vector<16xf32>
    tpu.vector_store %arg5[%swap3A_35], %swap3A_38 {strides = array<i32>} : memref<128xf32, #tpu.memory_space<vmem>>, vector<16xf32>,
    %swap3A_39 = arith.constant 64 : index
    %swap3A_40 = tpu.vector_load %arg6[%swap3A_39] {strides = array<i32>} : memref<128xf32, #tpu.memory_space<vmem>>, vector<16xf32>,
    %swap3A_41 = vector.shape_cast %swap3A_40 : vector<16xf32> to vector<16xf32>
    %swap3A_42 = vector.shape_cast %broadcast_in_dim3A_3 : vector<16xf32> to vector<16xf32>
    tpu.vector_store %arg6[%swap3A_39], %swap3A_42 {strides = array<i32>} : memref<128xf32, #tpu.memory_space<vmem>>, vector<16xf32>,
    %swap3A_43 = arith.constant 80 : index
    %swap3A_44 = tpu.vector_load %arg5[%swap3A_43] {strides = array<i32>} : memref<128xf32, #tpu.memory_space<vmem>>, vector<16xf32>,
    %swap3A_45 = vector.shape_cast %swap3A_44 : vector<16xf32> to vector<16xf32>
    %swap3A_46 = vector.shape_cast %broadcast_in_dim3A_1 : vector<16xf32> to vector<16xf32>
    tpu.vector_store %arg5[%swap3A_43], %swap3A_46 {strides = array<i32>} : memref<128xf32, #tpu.memory_space<vmem>>, vector<16xf32>,
    %swap3A_47 = arith.constant 80 : index
    %swap3A_48 = tpu.vector_load %arg6[%swap3A_47] {strides = array<i32>} : memref<128xf32, #tpu.memory_space<vmem>>, vector<16xf32>,
    %swap3A_49 = vector.shape_cast %swap3A_48 : vector<16xf32> to vector<16xf32>
    %swap3A_50 = vector.shape_cast %broadcast_in_dim3A_3 : vector<16xf32> to vector<16xf32>
    tpu.vector_store %arg6[%swap3A_47], %swap3A_50 {strides = array<i32>} : memref<128xf32, #tpu.memory_space<vmem>>, vector<16xf32>,
    %swap3A_51 = arith.constant 96 : index
    %swap3A_52 = tpu.vector_load %arg5[%swap3A_51] {strides = array<i32>} : memref<128xf32, #tpu.memory_space<vmem>>, vector<16xf32>,
    %swap3A_53 = vector.shape_cast %swap3A_52 : vector<16xf32> to vector<16xf32>
    %swap3A_54 = vector.shape_cast %broadcast_in_dim3A_1 : vector<16xf32> to vector<16xf32>
    tpu.vector_store %arg5[%swap3A_51], %swap3A_54 {strides = array<i32>} : memref<128xf32, #tpu.memory_space<vmem>>, vector<16xf32>,
    %swap3A_55 = arith.constant 96 : index
    %swap3A_56 = tpu.vector_load %arg6[%swap3A_55] {strides = array<i32>} : memref<128xf32, #tpu.memory_space<vmem>>, vector<16xf32>,
    %swap3A_57 = vector.shape_cast %swap3A_56 : vector<16xf32> to vector<16xf32>
    %swap3A_58 = vector.shape_cast %broadcast_in_dim3A_3 : vector<16xf32> to vector<16xf32>
    tpu.vector_store %arg6[%swap3A_55], %swap3A_58 {strides = array<i32>} : memref<128xf32, #tpu.memory_space<vmem>>, vector<16xf32>,
    %swap3A_59 = arith.constant 112 : index
    %swap3A_60 = tpu.vector_load %arg5[%swap3A_59] {strides = array<i32>} : memref<128xf32, #tpu.memory_space<vmem>>, vector<16xf32>,
    %swap3A_61 = vector.shape_cast %swap3A_60 : vector<16xf32> to vector<16xf32>
    %swap3A_62 = vector.shape_cast %broadcast_in_dim3A_1 : vector<16xf32> to vector<16xf32>
    tpu.vector_store %arg5[%swap3A_59], %swap3A_62 {strides = array<i32>} : memref<128xf32, #tpu.memory_space<vmem>>, vector<16xf32>,
    %swap3A_63 = arith.constant 112 : index
    %swap3A_64 = tpu.vector_load %arg6[%swap3A_63] {strides = array<i32>} : memref<128xf32, #tpu.memory_space<vmem>>, vector<16xf32>,
    %swap3A_65 = vector.shape_cast %swap3A_64 : vector<16xf32> to vector<16xf32>
    %swap3A_66 = vector.shape_cast %broadcast_in_dim3A_3 : vector<16xf32> to vector<16xf32>
    tpu.vector_store %arg6[%swap3A_63], %swap3A_66 {strides = array<i32>} : memref<128xf32, #tpu.memory_space<vmem>>, vector<16xf32>,
    %mul3A_67 = arith.constant 640 : i32
    %mul3A_68 = arith.muli %arg1, %mul3A_67 : i32
    %add3A_69 = arith.constant 0 : i32
    %add3A_70 = arith.addi %mul3A_68, %add3A_69 : i32
    "tpu.region"() ({
      %run_scoped3A = tpu.sem_alloc : memref<!tpu.dma_semaphore, #tpu.memory_space<semaphore_mem>>
      %dma_start3A = tpu.memref_slice %arg7[%add3A_70] : memref<10240xf32, #tpu.memory_space<vmem_shared>> -> memref<128xf32, #tpu.memory_space<vmem_shared>>
      %dma_start3A_98 = tpu.memref_slice %arg7[%add3A_70] : memref<10240xf32, #tpu.memory_space<vmem_shared>> -> memref<128xf32, #tpu.memory_space<vmem_shared>>
      tpu.enqueue_dma source(%arg6 : memref<128xf32, #tpu.memory_space<vmem>>) target(%dma_start3A_98 : memref<128xf32, #tpu.memory_space<vmem_shared>>) target_semaphore(%run_scoped3A : memref<!tpu.dma_semaphore, #tpu.memory_space<semaphore_mem>>)
      %dma_wait3A = tpu.memref_slice %arg7[%add3A_70] : memref<10240xf32, #tpu.memory_space<vmem_shared>> -> memref<128xf32, #tpu.memory_space<vmem_shared>>
      %dma_wait3A_99 = tpu.memref_slice %arg7[%add3A_70] : memref<10240xf32, #tpu.memory_space<vmem_shared>> -> memref<128xf32, #tpu.memory_space<vmem_shared>>
      tpu.wait_dma2 semaphore(%run_scoped3A : memref<!tpu.dma_semaphore, #tpu.memory_space<semaphore_mem>>) src(%arg6 : memref<128xf32, #tpu.memory_space<vmem>>) dst(%dma_wait3A_99 : memref<128xf32, #tpu.memory_space<vmem_shared>>)
      tpu.yield
    }) : () -> ()
    %mul3A_71 = arith.constant 640 : i32
    %mul3A_72 = arith.muli %arg1, %mul3A_71 : i32
    %add3A_73 = arith.constant 128 : i32
    %add3A_74 = arith.addi %mul3A_72, %add3A_73 : i32
    "tpu.region"() ({
      %run_scoped3A = tpu.sem_alloc : memref<!tpu.dma_semaphore, #tpu.memory_space<semaphore_mem>>
      %dma_start3A = tpu.memref_slice %arg7[%add3A_74] : memref<10240xf32, #tpu.memory_space<vmem_shared>> -> memref<128xf32, #tpu.memory_space<vmem_shared>>
      %dma_start3A_98 = tpu.memref_slice %arg7[%add3A_74] : memref<10240xf32, #tpu.memory_space<vmem_shared>> -> memref<128xf32, #tpu.memory_space<vmem_shared>>
      tpu.enqueue_dma source(%arg6 : memref<128xf32, #tpu.memory_space<vmem>>) target(%dma_start3A_98 : memref<128xf32, #tpu.memory_space<vmem_shared>>) target_semaphore(%run_scoped3A : memref<!tpu.dma_semaphore, #tpu.memory_space<semaphore_mem>>)
      %dma_wait3A = tpu.memref_slice %arg7[%add3A_74] : memref<10240xf32, #tpu.memory_space<vmem_shared>> -> memref<128xf32, #tpu.memory_space<vmem_shared>>
      %dma_wait3A_99 = tpu.memref_slice %arg7[%add3A_74] : memref<10240xf32, #tpu.memory_space<vmem_shared>> -> memref<128xf32, #tpu.memory_space<vmem_shared>>
      tpu.wait_dma2 semaphore(%run_scoped3A : memref<!tpu.dma_semaphore, #tpu.memory_space<semaphore_mem>>) src(%arg6 : memref<128xf32, #tpu.memory_space<vmem>>) dst(%dma_wait3A_99 : memref<128xf32, #tpu.memory_space<vmem_shared>>)
      tpu.yield
    }) : () -> ()
    %mul3A_75 = arith.constant 640 : i32
    %mul3A_76 = arith.muli %arg1, %mul3A_75 : i32
    %add3A_77 = arith.constant 256 : i32
    %add3A_78 = arith.addi %mul3A_76, %add3A_77 : i32
    "tpu.region"() ({
      %run_scoped3A = tpu.sem_alloc : memref<!tpu.dma_semaphore, #tpu.memory_space<semaphore_mem>>
      %dma_start3A = tpu.memref_slice %arg7[%add3A_78] : memref<10240xf32, #tpu.memory_space<vmem_shared>> -> memref<128xf32, #tpu.memory_space<vmem_shared>>
      %dma_start3A_98 = tpu.memref_slice %arg7[%add3A_78] : memref<10240xf32, #tpu.memory_space<vmem_shared>> -> memref<128xf32, #tpu.memory_space<vmem_shared>>
      tpu.enqueue_dma source(%arg6 : memref<128xf32, #tpu.memory_space<vmem>>) target(%dma_start3A_98 : memref<128xf32, #tpu.memory_space<vmem_shared>>) target_semaphore(%run_scoped3A : memref<!tpu.dma_semaphore, #tpu.memory_space<semaphore_mem>>)
      %dma_wait3A = tpu.memref_slice %arg7[%add3A_78] : memref<10240xf32, #tpu.memory_space<vmem_shared>> -> memref<128xf32, #tpu.memory_space<vmem_shared>>
      %dma_wait3A_99 = tpu.memref_slice %arg7[%add3A_78] : memref<10240xf32, #tpu.memory_space<vmem_shared>> -> memref<128xf32, #tpu.memory_space<vmem_shared>>
      tpu.wait_dma2 semaphore(%run_scoped3A : memref<!tpu.dma_semaphore, #tpu.memory_space<semaphore_mem>>) src(%arg6 : memref<128xf32, #tpu.memory_space<vmem>>) dst(%dma_wait3A_99 : memref<128xf32, #tpu.memory_space<vmem_shared>>)
      tpu.yield
    }) : () -> ()
    %mul3A_79 = arith.constant 640 : i32
    %mul3A_80 = arith.muli %arg1, %mul3A_79 : i32
    %add3A_81 = arith.constant 384 : i32
    %add3A_82 = arith.addi %mul3A_80, %add3A_81 : i32
    "tpu.region"() ({
      %run_scoped3A = tpu.sem_alloc : memref<!tpu.dma_semaphore, #tpu.memory_space<semaphore_mem>>
      %dma_start3A = tpu.memref_slice %arg7[%add3A_82] : memref<10240xf32, #tpu.memory_space<vmem_shared>> -> memref<128xf32, #tpu.memory_space<vmem_shared>>
      %dma_start3A_98 = tpu.memref_slice %arg7[%add3A_82] : memref<10240xf32, #tpu.memory_space<vmem_shared>> -> memref<128xf32, #tpu.memory_space<vmem_shared>>
      tpu.enqueue_dma source(%arg6 : memref<128xf32, #tpu.memory_space<vmem>>) target(%dma_start3A_98 : memref<128xf32, #tpu.memory_space<vmem_shared>>) target_semaphore(%run_scoped3A : memref<!tpu.dma_semaphore, #tpu.memory_space<semaphore_mem>>)
      %dma_wait3A = tpu.memref_slice %arg7[%add3A_82] : memref<10240xf32, #tpu.memory_space<vmem_shared>> -> memref<128xf32, #tpu.memory_space<vmem_shared>>
      %dma_wait3A_99 = tpu.memref_slice %arg7[%add3A_82] : memref<10240xf32, #tpu.memory_space<vmem_shared>> -> memref<128xf32, #tpu.memory_space<vmem_shared>>
      tpu.wait_dma2 semaphore(%run_scoped3A : memref<!tpu.dma_semaphore, #tpu.memory_space<semaphore_mem>>) src(%arg6 : memref<128xf32, #tpu.memory_space<vmem>>) dst(%dma_wait3A_99 : memref<128xf32, #tpu.memory_space<vmem_shared>>)
      tpu.yield
    }) : () -> ()
    %mul3A_83 = arith.constant 640 : i32
    %mul3A_84 = arith.muli %arg1, %mul3A_83 : i32
    %add3A_85 = arith.constant 512 : i32
    %add3A_86 = arith.addi %mul3A_84, %add3A_85 : i32
    "tpu.region"() ({
      %run_scoped3A = tpu.sem_alloc : memref<!tpu.dma_semaphore, #tpu.memory_space<semaphore_mem>>
      %dma_start3A = tpu.memref_slice %arg7[%add3A_86] : memref<10240xf32, #tpu.memory_space<vmem_shared>> -> memref<128xf32, #tpu.memory_space<vmem_shared>>
      %dma_start3A_98 = tpu.memref_slice %arg7[%add3A_86] : memref<10240xf32, #tpu.memory_space<vmem_shared>> -> memref<128xf32, #tpu.memory_space<vmem_shared>>
      tpu.enqueue_dma source(%arg6 : memref<128xf32, #tpu.memory_space<vmem>>) target(%dma_start3A_98 : memref<128xf32, #tpu.memory_space<vmem_shared>>) target_semaphore(%run_scoped3A : memref<!tpu.dma_semaphore, #tpu.memory_space<semaphore_mem>>)
      %dma_wait3A = tpu.memref_slice %arg7[%add3A_86] : memref<10240xf32, #tpu.memory_space<vmem_shared>> -> memref<128xf32, #tpu.memory_space<vmem_shared>>
      %dma_wait3A_99 = tpu.memref_slice %arg7[%add3A_86] : memref<10240xf32, #tpu.memory_space<vmem_shared>> -> memref<128xf32, #tpu.memory_space<vmem_shared>>
      tpu.wait_dma2 semaphore(%run_scoped3A : memref<!tpu.dma_semaphore, #tpu.memory_space<semaphore_mem>>) src(%arg6 : memref<128xf32, #tpu.memory_space<vmem>>) dst(%dma_wait3A_99 : memref<128xf32, #tpu.memory_space<vmem_shared>>)
      tpu.yield
    }) : () -> ()
    %barrier3A = arith.constant 0 : index
    tpu.barrier barrier_id(%barrier3A)
    "tpu.region"() ({
      %run_scoped3A = tpu.sem_alloc : memref<!tpu.dma_semaphore, #tpu.memory_space<semaphore_mem>>
      %dma_start3A = arith.constant 0 : i32
      %dma_start3A_98 = arith.constant 0 : i32
      %dma_start3A_99 = tpu.memref_slice %arg2[%add3A, %dma_start3A, %dma_start3A_98] : memref<32x79x128xi32, #tpu.memory_space<hbm>> -> memref<1x79x128xi32, #tpu.memory_space<hbm>>
      %dma_start3A_100 = tpu.memref_squeeze %dma_start3A_99 : memref<1x79x128xi32, #tpu.memory_space<hbm>> -> memref<79x128xi32, #tpu.memory_space<hbm>>
      %dma_start3A_101 = arith.constant 0 : i32
      %dma_start3A_102 = arith.constant 0 : i32
      %dma_start3A_103 = tpu.memref_slice %arg2[%add3A, %dma_start3A_101, %dma_start3A_102] : memref<32x79x128xi32, #tpu.memory_space<hbm>> -> memref<1x79x128xi32, #tpu.memory_space<hbm>>
      %dma_start3A_104 = tpu.memref_squeeze %dma_start3A_103 : memref<1x79x128xi32, #tpu.memory_space<hbm>> -> memref<79x128xi32, #tpu.memory_space<hbm>>
      tpu.enqueue_dma source(%dma_start3A_104 : memref<79x128xi32, #tpu.memory_space<hbm>>) target(%arg4 : memref<79x128xi32, #tpu.memory_space<vmem>>) target_semaphore(%run_scoped3A : memref<!tpu.dma_semaphore, #tpu.memory_space<semaphore_mem>>)
      %dma_wait3A = arith.constant 0 : i32
      %dma_wait3A_105 = arith.constant 0 : i32
      %dma_wait3A_106 = tpu.memref_slice %arg2[%add3A, %dma_wait3A, %dma_wait3A_105] : memref<32x79x128xi32, #tpu.memory_space<hbm>> -> memref<1x79x128xi32, #tpu.memory_space<hbm>>
      %dma_wait3A_107 = tpu.memref_squeeze %dma_wait3A_106 : memref<1x79x128xi32, #tpu.memory_space<hbm>> -> memref<79x128xi32, #tpu.memory_space<hbm>>
      %dma_wait3A_108 = arith.constant 0 : i32
      %dma_wait3A_109 = arith.constant 0 : i32
      %dma_wait3A_110 = tpu.memref_slice %arg2[%add3A, %dma_wait3A_108, %dma_wait3A_109] : memref<32x79x128xi32, #tpu.memory_space<hbm>> -> memref<1x79x128xi32, #tpu.memory_space<hbm>>
      %dma_wait3A_111 = tpu.memref_squeeze %dma_wait3A_110 : memref<1x79x128xi32, #tpu.memory_space<hbm>> -> memref<79x128xi32, #tpu.memory_space<hbm>>
      tpu.wait_dma2 semaphore(%run_scoped3A : memref<!tpu.dma_semaphore, #tpu.memory_space<semaphore_mem>>) src(%dma_wait3A_111 : memref<79x128xi32, #tpu.memory_space<hbm>>) dst(%arg4 : memref<79x128xi32, #tpu.memory_space<vmem>>)
      tpu.yield
    }) : () -> ()
    %scan3A = arith.constant 0 : i32
    %scan3A_87 = arith.constant 0 : i32
    %scan3A_88 = arith.constant 79 : i32
    %scan3A_89 = arith.addi %scan3A_87, %scan3A_88 : i32
    %scan3A_90 = arith.constant 1 : i32
    %scan3A_91 = scf.for %scan3A_98 = %scan3A_87 to %scan3A_89 step %scan3A_90 iter_args(%scan3A_99 = %scan3A) -> (i32)  : i32 {
      "tpu.region"() ({
        %run_scoped3A = tpu.sem_alloc : memref<!tpu.dma_semaphore, #tpu.memory_space<semaphore_mem>>
        %dma_start3A = arith.constant 0 : i32
        %dma_start3A_101 = tpu.memref_slice %arg4[%scan3A_98, %dma_start3A] : memref<79x128xi32, #tpu.memory_space<vmem>> -> memref<1x128xi32, #tpu.memory_space<vmem>>
        %dma_start3A_102 = tpu.memref_squeeze %dma_start3A_101 : memref<1x128xi32, #tpu.memory_space<vmem>> -> memref<128xi32, #tpu.memory_space<vmem>>
        %dma_start3A_103 = arith.constant 0 : i32
        %dma_start3A_104 = tpu.memref_slice %arg7[%dma_start3A_103] : memref<10240xf32, #tpu.memory_space<vmem_shared>> -> memref<10240xf32, #tpu.memory_space<vmem_shared>>
        tpu.enqueue_indirect_dma source(%arg5 : memref<128xf32, #tpu.memory_space<vmem>>) target(%dma_start3A_104 : memref<10240xf32, #tpu.memory_space<vmem_shared>>) offsets(%dma_start3A_102 : memref<128xi32, #tpu.memory_space<vmem>>) semaphore(%run_scoped3A : memref<!tpu.dma_semaphore, #tpu.memory_space<semaphore_mem>>) {add = true}
        %dma_wait3A = arith.constant 0 : i32
        %dma_wait3A_105 = tpu.memref_slice %arg4[%scan3A_98, %dma_wait3A] : memref<79x128xi32, #tpu.memory_space<vmem>> -> memref<1x128xi32, #tpu.memory_space<vmem>>
        %dma_wait3A_106 = tpu.memref_squeeze %dma_wait3A_105 : memref<1x128xi32, #tpu.memory_space<vmem>> -> memref<128xi32, #tpu.memory_space<vmem>>
        %dma_wait3A_107 = arith.constant 0 : i32
        %dma_wait3A_108 = tpu.memref_slice %arg7[%dma_wait3A_107] : memref<10240xf32, #tpu.memory_space<vmem_shared>> -> memref<10240xf32, #tpu.memory_space<vmem_shared>>
        tpu.wait_indirect_dma semaphore(%run_scoped3A : memref<!tpu.dma_semaphore, #tpu.memory_space<semaphore_mem>>) src(%arg5 : memref<128xf32, #tpu.memory_space<vmem>>) dst(%dma_wait3A_108 : memref<10240xf32, #tpu.memory_space<vmem_shared>>)
        tpu.yield
      }) : () -> ()
      %scan3A_100 = arith.constant 0 : i32
      scf.yield %scan3A_100 : i32
    }
    %scan3A_92 = arith.constant 79 : i32
    %barrier3A_93 = arith.constant 0 : index
    tpu.barrier barrier_id(%barrier3A_93)
    %mul3A_94 = arith.constant 640 : i32
    %mul3A_95 = arith.muli %arg1, %mul3A_94 : i32
    %mul3A_96 = arith.constant 640 : i32
    %mul3A_97 = arith.muli %arg1, %mul3A_96 : i32
    "tpu.region"() ({
      %run_scoped3A = tpu.sem_alloc : memref<!tpu.dma_semaphore, #tpu.memory_space<semaphore_mem>>
      %dma_start3A = tpu.memref_slice %arg3[%arg0, %mul3A_97] : memref<2x10240xf32, #tpu.memory_space<hbm>> -> memref<1x640xf32, #tpu.memory_space<hbm>>
      %dma_start3A_98 = tpu.memref_squeeze %dma_start3A : memref<1x640xf32, #tpu.memory_space<hbm>> -> memref<640xf32, #tpu.memory_space<hbm>>
      %dma_start3A_99 = tpu.memref_slice %arg7[%mul3A_95] : memref<10240xf32, #tpu.memory_space<vmem_shared>> -> memref<640xf32, #tpu.memory_space<vmem_shared>>
      tpu.enqueue_dma source(%dma_start3A_99 : memref<640xf32, #tpu.memory_space<vmem_shared>>) target(%dma_start3A_98 : memref<640xf32, #tpu.memory_space<hbm>>) target_semaphore(%run_scoped3A : memref<!tpu.dma_semaphore, #tpu.memory_space<semaphore_mem>>)
      %dma_wait3A = tpu.memref_slice %arg3[%arg0, %mul3A_97] : memref<2x10240xf32, #tpu.memory_space<hbm>> -> memref<1x640xf32, #tpu.memory_space<hbm>>
      %dma_wait3A_100 = tpu.memref_squeeze %dma_wait3A : memref<1x640xf32, #tpu.memory_space<hbm>> -> memref<640xf32, #tpu.memory_space<hbm>>
      %dma_wait3A_101 = tpu.memref_slice %arg7[%mul3A_95] : memref<10240xf32, #tpu.memory_space<vmem_shared>> -> memref<640xf32, #tpu.memory_space<vmem_shared>>
      tpu.wait_dma2 semaphore(%run_scoped3A : memref<!tpu.dma_semaphore, #tpu.memory_space<semaphore_mem>>) src(%dma_wait3A_101 : memref<640xf32, #tpu.memory_space<vmem_shared>>) dst(%dma_wait3A_100 : memref<640xf32, #tpu.memory_space<hbm>>)
      tpu.yield
    }) : () -> ()
    return
  }
}

#map = affine_map<(d0, d1) -> (0, 0)>
#map1 = affine_map<(d0, d1) -> (0, 0, 0)>
module attributes {stable_mosaic.version = 14 : i64} {
  func.func @_sc_agg(%arg0: i32, %arg1: i32, %arg2: memref<10000x128xf32, #tpu.memory_space<hbm>>, %arg3: memref<32x79x128xi32, #tpu.memory_space<hbm>>, %arg4: memref<32x79x128xi32, #tpu.memory_space<hbm>>, %arg5: memref<2x10112x128xf32, #tpu.memory_space<hbm>>, %arg6: memref<79x128xi32, #tpu.memory_space<vmem>>, %arg7: memref<79x128xi32, #tpu.memory_space<vmem>>, %arg8: memref<128x128xf32, #tpu.memory_space<vmem>>, %arg9: memref<10112x128xf32, #tpu.memory_space<vmem_shared>>, %arg10: memref<!tpu.dma_semaphore, #tpu.memory_space<semaphore_mem>>) attributes {dimension_semantics = [#tpu.dimension_semantics<core_parallel>, #tpu.dimension_semantics<subcore_parallel>], iteration_bounds = array<i64: 2, 16>, scalar_prefetch = 0 : i64, scratch_operands = 5 : i64, tpu.core_type = #tpu.core_type<sc_vector_subcore>, window_params = [{transform_indices = #map}, {transform_indices = #map1}, {transform_indices = #map1}, {transform_indices = #map1}]} {
    %mul3A = arith.constant 16 : i32
    %mul3A_0 = arith.muli %arg0, %mul3A : i32
    %add3A = arith.addi %mul3A_0, %arg1 : i32
    %broadcast_in_dim3A = arith.constant 0.000000e+00 : f32
    %broadcast_in_dim3A_1 = vector.broadcast %broadcast_in_dim3A : f32 to vector<16xf32>
    %scan3A = arith.constant 0 : i32
    %scan3A_2 = arith.constant 0 : i32
    %scan3A_3 = arith.constant 128 : i32
    %scan3A_4 = arith.addi %scan3A_2, %scan3A_3 : i32
    %scan3A_5 = arith.constant 1 : i32
    %scan3A_6 = scf.for %scan3A_33 = %scan3A_2 to %scan3A_4 step %scan3A_5 iter_args(%scan3A_34 = %scan3A) -> (i32)  : i32 {
      %swap3A = arith.index_cast %scan3A_33 : i32 to index
      %swap3A_35 = arith.constant 0 : index
      %swap3A_36 = tpu.vector_load %arg8[%swap3A, %swap3A_35] {strides = array<i32>} : memref<128x128xf32, #tpu.memory_space<vmem>>, vector<1x16xf32>,
      %swap3A_37 = vector.shape_cast %swap3A_36 : vector<1x16xf32> to vector<16xf32>
      %swap3A_38 = vector.shape_cast %broadcast_in_dim3A_1 : vector<16xf32> to vector<1x16xf32>
      tpu.vector_store %arg8[%swap3A, %swap3A_35], %swap3A_38 {strides = array<i32>} : memref<128x128xf32, #tpu.memory_space<vmem>>, vector<1x16xf32>,
      %swap3A_39 = arith.index_cast %scan3A_33 : i32 to index
      %swap3A_40 = arith.constant 16 : index
      %swap3A_41 = tpu.vector_load %arg8[%swap3A_39, %swap3A_40] {strides = array<i32>} : memref<128x128xf32, #tpu.memory_space<vmem>>, vector<1x16xf32>,
      %swap3A_42 = vector.shape_cast %swap3A_41 : vector<1x16xf32> to vector<16xf32>
      %swap3A_43 = vector.shape_cast %broadcast_in_dim3A_1 : vector<16xf32> to vector<1x16xf32>
      tpu.vector_store %arg8[%swap3A_39, %swap3A_40], %swap3A_43 {strides = array<i32>} : memref<128x128xf32, #tpu.memory_space<vmem>>, vector<1x16xf32>,
      %swap3A_44 = arith.index_cast %scan3A_33 : i32 to index
      %swap3A_45 = arith.constant 32 : index
      %swap3A_46 = tpu.vector_load %arg8[%swap3A_44, %swap3A_45] {strides = array<i32>} : memref<128x128xf32, #tpu.memory_space<vmem>>, vector<1x16xf32>,
      %swap3A_47 = vector.shape_cast %swap3A_46 : vector<1x16xf32> to vector<16xf32>
      %swap3A_48 = vector.shape_cast %broadcast_in_dim3A_1 : vector<16xf32> to vector<1x16xf32>
      tpu.vector_store %arg8[%swap3A_44, %swap3A_45], %swap3A_48 {strides = array<i32>} : memref<128x128xf32, #tpu.memory_space<vmem>>, vector<1x16xf32>,
      %swap3A_49 = arith.index_cast %scan3A_33 : i32 to index
      %swap3A_50 = arith.constant 48 : index
      %swap3A_51 = tpu.vector_load %arg8[%swap3A_49, %swap3A_50] {strides = array<i32>} : memref<128x128xf32, #tpu.memory_space<vmem>>, vector<1x16xf32>,
      %swap3A_52 = vector.shape_cast %swap3A_51 : vector<1x16xf32> to vector<16xf32>
      %swap3A_53 = vector.shape_cast %broadcast_in_dim3A_1 : vector<16xf32> to vector<1x16xf32>
      tpu.vector_store %arg8[%swap3A_49, %swap3A_50], %swap3A_53 {strides = array<i32>} : memref<128x128xf32, #tpu.memory_space<vmem>>, vector<1x16xf32>,
      %swap3A_54 = arith.index_cast %scan3A_33 : i32 to index
      %swap3A_55 = arith.constant 64 : index
      %swap3A_56 = tpu.vector_load %arg8[%swap3A_54, %swap3A_55] {strides = array<i32>} : memref<128x128xf32, #tpu.memory_space<vmem>>, vector<1x16xf32>,
      %swap3A_57 = vector.shape_cast %swap3A_56 : vector<1x16xf32> to vector<16xf32>
      %swap3A_58 = vector.shape_cast %broadcast_in_dim3A_1 : vector<16xf32> to vector<1x16xf32>
      tpu.vector_store %arg8[%swap3A_54, %swap3A_55], %swap3A_58 {strides = array<i32>} : memref<128x128xf32, #tpu.memory_space<vmem>>, vector<1x16xf32>,
      %swap3A_59 = arith.index_cast %scan3A_33 : i32 to index
      %swap3A_60 = arith.constant 80 : index
      %swap3A_61 = tpu.vector_load %arg8[%swap3A_59, %swap3A_60] {strides = array<i32>} : memref<128x128xf32, #tpu.memory_space<vmem>>, vector<1x16xf32>,
      %swap3A_62 = vector.shape_cast %swap3A_61 : vector<1x16xf32> to vector<16xf32>
      %swap3A_63 = vector.shape_cast %broadcast_in_dim3A_1 : vector<16xf32> to vector<1x16xf32>
      tpu.vector_store %arg8[%swap3A_59, %swap3A_60], %swap3A_63 {strides = array<i32>} : memref<128x128xf32, #tpu.memory_space<vmem>>, vector<1x16xf32>,
      %swap3A_64 = arith.index_cast %scan3A_33 : i32 to index
      %swap3A_65 = arith.constant 96 : index
      %swap3A_66 = tpu.vector_load %arg8[%swap3A_64, %swap3A_65] {strides = array<i32>} : memref<128x128xf32, #tpu.memory_space<vmem>>, vector<1x16xf32>,
      %swap3A_67 = vector.shape_cast %swap3A_66 : vector<1x16xf32> to vector<16xf32>
      %swap3A_68 = vector.shape_cast %broadcast_in_dim3A_1 : vector<16xf32> to vector<1x16xf32>
      tpu.vector_store %arg8[%swap3A_64, %swap3A_65], %swap3A_68 {strides = array<i32>} : memref<128x128xf32, #tpu.memory_space<vmem>>, vector<1x16xf32>,
      %swap3A_69 = arith.index_cast %scan3A_33 : i32 to index
      %swap3A_70 = arith.constant 112 : index
      %swap3A_71 = tpu.vector_load %arg8[%swap3A_69, %swap3A_70] {strides = array<i32>} : memref<128x128xf32, #tpu.memory_space<vmem>>, vector<1x16xf32>,
      %swap3A_72 = vector.shape_cast %swap3A_71 : vector<1x16xf32> to vector<16xf32>
      %swap3A_73 = vector.shape_cast %broadcast_in_dim3A_1 : vector<16xf32> to vector<1x16xf32>
      tpu.vector_store %arg8[%swap3A_69, %swap3A_70], %swap3A_73 {strides = array<i32>} : memref<128x128xf32, #tpu.memory_space<vmem>>, vector<1x16xf32>,
      %scan3A_74 = arith.constant 0 : i32
      scf.yield %scan3A_74 : i32
    }
    %scan3A_7 = arith.constant 128 : i32
    %mul3A_8 = arith.constant 632 : i32
    %mul3A_9 = arith.muli %arg1, %mul3A_8 : i32
    %add3A_10 = arith.constant 0 : i32
    %add3A_11 = arith.addi %mul3A_9, %add3A_10 : i32
    "tpu.region"() ({
      %run_scoped3A = tpu.sem_alloc : memref<!tpu.dma_semaphore, #tpu.memory_space<semaphore_mem>>
      %dma_start3A = arith.constant 0 : i32
      %dma_start3A_33 = tpu.memref_slice %arg9[%add3A_11, %dma_start3A] : memref<10112x128xf32, #tpu.memory_space<vmem_shared>> -> memref<128x128xf32, #tpu.memory_space<vmem_shared>>
      %dma_start3A_34 = arith.constant 0 : i32
      %dma_start3A_35 = tpu.memref_slice %arg9[%add3A_11, %dma_start3A_34] : memref<10112x128xf32, #tpu.memory_space<vmem_shared>> -> memref<128x128xf32, #tpu.memory_space<vmem_shared>>
      tpu.enqueue_dma source(%arg8 : memref<128x128xf32, #tpu.memory_space<vmem>>) target(%dma_start3A_35 : memref<128x128xf32, #tpu.memory_space<vmem_shared>>) target_semaphore(%run_scoped3A : memref<!tpu.dma_semaphore, #tpu.memory_space<semaphore_mem>>)
      %dma_wait3A = arith.constant 0 : i32
      %dma_wait3A_36 = tpu.memref_slice %arg9[%add3A_11, %dma_wait3A] : memref<10112x128xf32, #tpu.memory_space<vmem_shared>> -> memref<128x128xf32, #tpu.memory_space<vmem_shared>>
      %dma_wait3A_37 = arith.constant 0 : i32
      %dma_wait3A_38 = tpu.memref_slice %arg9[%add3A_11, %dma_wait3A_37] : memref<10112x128xf32, #tpu.memory_space<vmem_shared>> -> memref<128x128xf32, #tpu.memory_space<vmem_shared>>
      tpu.wait_dma2 semaphore(%run_scoped3A : memref<!tpu.dma_semaphore, #tpu.memory_space<semaphore_mem>>) src(%arg8 : memref<128x128xf32, #tpu.memory_space<vmem>>) dst(%dma_wait3A_38 : memref<128x128xf32, #tpu.memory_space<vmem_shared>>)
      tpu.yield
    }) : () -> ()
    %add3A_12 = arith.constant 128 : i32
    %add3A_13 = arith.addi %mul3A_9, %add3A_12 : i32
    "tpu.region"() ({
      %run_scoped3A = tpu.sem_alloc : memref<!tpu.dma_semaphore, #tpu.memory_space<semaphore_mem>>
      %dma_start3A = arith.constant 0 : i32
      %dma_start3A_33 = tpu.memref_slice %arg9[%add3A_13, %dma_start3A] : memref<10112x128xf32, #tpu.memory_space<vmem_shared>> -> memref<128x128xf32, #tpu.memory_space<vmem_shared>>
      %dma_start3A_34 = arith.constant 0 : i32
      %dma_start3A_35 = tpu.memref_slice %arg9[%add3A_13, %dma_start3A_34] : memref<10112x128xf32, #tpu.memory_space<vmem_shared>> -> memref<128x128xf32, #tpu.memory_space<vmem_shared>>
      tpu.enqueue_dma source(%arg8 : memref<128x128xf32, #tpu.memory_space<vmem>>) target(%dma_start3A_35 : memref<128x128xf32, #tpu.memory_space<vmem_shared>>) target_semaphore(%run_scoped3A : memref<!tpu.dma_semaphore, #tpu.memory_space<semaphore_mem>>)
      %dma_wait3A = arith.constant 0 : i32
      %dma_wait3A_36 = tpu.memref_slice %arg9[%add3A_13, %dma_wait3A] : memref<10112x128xf32, #tpu.memory_space<vmem_shared>> -> memref<128x128xf32, #tpu.memory_space<vmem_shared>>
      %dma_wait3A_37 = arith.constant 0 : i32
      %dma_wait3A_38 = tpu.memref_slice %arg9[%add3A_13, %dma_wait3A_37] : memref<10112x128xf32, #tpu.memory_space<vmem_shared>> -> memref<128x128xf32, #tpu.memory_space<vmem_shared>>
      tpu.wait_dma2 semaphore(%run_scoped3A : memref<!tpu.dma_semaphore, #tpu.memory_space<semaphore_mem>>) src(%arg8 : memref<128x128xf32, #tpu.memory_space<vmem>>) dst(%dma_wait3A_38 : memref<128x128xf32, #tpu.memory_space<vmem_shared>>)
      tpu.yield
    }) : () -> ()
    %add3A_14 = arith.constant 256 : i32
    %add3A_15 = arith.addi %mul3A_9, %add3A_14 : i32
    "tpu.region"() ({
      %run_scoped3A = tpu.sem_alloc : memref<!tpu.dma_semaphore, #tpu.memory_space<semaphore_mem>>
      %dma_start3A = arith.constant 0 : i32
      %dma_start3A_33 = tpu.memref_slice %arg9[%add3A_15, %dma_start3A] : memref<10112x128xf32, #tpu.memory_space<vmem_shared>> -> memref<128x128xf32, #tpu.memory_space<vmem_shared>>
      %dma_start3A_34 = arith.constant 0 : i32
      %dma_start3A_35 = tpu.memref_slice %arg9[%add3A_15, %dma_start3A_34] : memref<10112x128xf32, #tpu.memory_space<vmem_shared>> -> memref<128x128xf32, #tpu.memory_space<vmem_shared>>
      tpu.enqueue_dma source(%arg8 : memref<128x128xf32, #tpu.memory_space<vmem>>) target(%dma_start3A_35 : memref<128x128xf32, #tpu.memory_space<vmem_shared>>) target_semaphore(%run_scoped3A : memref<!tpu.dma_semaphore, #tpu.memory_space<semaphore_mem>>)
      %dma_wait3A = arith.constant 0 : i32
      %dma_wait3A_36 = tpu.memref_slice %arg9[%add3A_15, %dma_wait3A] : memref<10112x128xf32, #tpu.memory_space<vmem_shared>> -> memref<128x128xf32, #tpu.memory_space<vmem_shared>>
      %dma_wait3A_37 = arith.constant 0 : i32
      %dma_wait3A_38 = tpu.memref_slice %arg9[%add3A_15, %dma_wait3A_37] : memref<10112x128xf32, #tpu.memory_space<vmem_shared>> -> memref<128x128xf32, #tpu.memory_space<vmem_shared>>
      tpu.wait_dma2 semaphore(%run_scoped3A : memref<!tpu.dma_semaphore, #tpu.memory_space<semaphore_mem>>) src(%arg8 : memref<128x128xf32, #tpu.memory_space<vmem>>) dst(%dma_wait3A_38 : memref<128x128xf32, #tpu.memory_space<vmem_shared>>)
      tpu.yield
    }) : () -> ()
    %add3A_16 = arith.constant 384 : i32
    %add3A_17 = arith.addi %mul3A_9, %add3A_16 : i32
    "tpu.region"() ({
      %run_scoped3A = tpu.sem_alloc : memref<!tpu.dma_semaphore, #tpu.memory_space<semaphore_mem>>
      %dma_start3A = arith.constant 0 : i32
      %dma_start3A_33 = tpu.memref_slice %arg9[%add3A_17, %dma_start3A] : memref<10112x128xf32, #tpu.memory_space<vmem_shared>> -> memref<128x128xf32, #tpu.memory_space<vmem_shared>>
      %dma_start3A_34 = arith.constant 0 : i32
      %dma_start3A_35 = tpu.memref_slice %arg9[%add3A_17, %dma_start3A_34] : memref<10112x128xf32, #tpu.memory_space<vmem_shared>> -> memref<128x128xf32, #tpu.memory_space<vmem_shared>>
      tpu.enqueue_dma source(%arg8 : memref<128x128xf32, #tpu.memory_space<vmem>>) target(%dma_start3A_35 : memref<128x128xf32, #tpu.memory_space<vmem_shared>>) target_semaphore(%run_scoped3A : memref<!tpu.dma_semaphore, #tpu.memory_space<semaphore_mem>>)
      %dma_wait3A = arith.constant 0 : i32
      %dma_wait3A_36 = tpu.memref_slice %arg9[%add3A_17, %dma_wait3A] : memref<10112x128xf32, #tpu.memory_space<vmem_shared>> -> memref<128x128xf32, #tpu.memory_space<vmem_shared>>
      %dma_wait3A_37 = arith.constant 0 : i32
      %dma_wait3A_38 = tpu.memref_slice %arg9[%add3A_17, %dma_wait3A_37] : memref<10112x128xf32, #tpu.memory_space<vmem_shared>> -> memref<128x128xf32, #tpu.memory_space<vmem_shared>>
      tpu.wait_dma2 semaphore(%run_scoped3A : memref<!tpu.dma_semaphore, #tpu.memory_space<semaphore_mem>>) src(%arg8 : memref<128x128xf32, #tpu.memory_space<vmem>>) dst(%dma_wait3A_38 : memref<128x128xf32, #tpu.memory_space<vmem_shared>>)
      tpu.yield
    }) : () -> ()
    %add3A_18 = arith.constant 632 : i32
    %add3A_19 = arith.addi %mul3A_9, %add3A_18 : i32
    %sub3A = arith.constant 128 : i32
    %sub3A_20 = arith.subi %add3A_19, %sub3A : i32
    "tpu.region"() ({
      %run_scoped3A = tpu.sem_alloc : memref<!tpu.dma_semaphore, #tpu.memory_space<semaphore_mem>>
      %dma_start3A = arith.constant 0 : i32
      %dma_start3A_33 = tpu.memref_slice %arg9[%sub3A_20, %dma_start3A] : memref<10112x128xf32, #tpu.memory_space<vmem_shared>> -> memref<128x128xf32, #tpu.memory_space<vmem_shared>>
      %dma_start3A_34 = arith.constant 0 : i32
      %dma_start3A_35 = tpu.memref_slice %arg9[%sub3A_20, %dma_start3A_34] : memref<10112x128xf32, #tpu.memory_space<vmem_shared>> -> memref<128x128xf32, #tpu.memory_space<vmem_shared>>
      tpu.enqueue_dma source(%arg8 : memref<128x128xf32, #tpu.memory_space<vmem>>) target(%dma_start3A_35 : memref<128x128xf32, #tpu.memory_space<vmem_shared>>) target_semaphore(%run_scoped3A : memref<!tpu.dma_semaphore, #tpu.memory_space<semaphore_mem>>)
      %dma_wait3A = arith.constant 0 : i32
      %dma_wait3A_36 = tpu.memref_slice %arg9[%sub3A_20, %dma_wait3A] : memref<10112x128xf32, #tpu.memory_space<vmem_shared>> -> memref<128x128xf32, #tpu.memory_space<vmem_shared>>
      %dma_wait3A_37 = arith.constant 0 : i32
      %dma_wait3A_38 = tpu.memref_slice %arg9[%sub3A_20, %dma_wait3A_37] : memref<10112x128xf32, #tpu.memory_space<vmem_shared>> -> memref<128x128xf32, #tpu.memory_space<vmem_shared>>
      tpu.wait_dma2 semaphore(%run_scoped3A : memref<!tpu.dma_semaphore, #tpu.memory_space<semaphore_mem>>) src(%arg8 : memref<128x128xf32, #tpu.memory_space<vmem>>) dst(%dma_wait3A_38 : memref<128x128xf32, #tpu.memory_space<vmem_shared>>)
      tpu.yield
    }) : () -> ()
    %barrier3A = arith.constant 0 : index
    tpu.barrier barrier_id(%barrier3A)
    "tpu.region"() ({
      %run_scoped3A = tpu.sem_alloc : memref<!tpu.dma_semaphore, #tpu.memory_space<semaphore_mem>>
      %dma_start3A = arith.constant 0 : i32
      %dma_start3A_33 = arith.constant 0 : i32
      %dma_start3A_34 = tpu.memref_slice %arg3[%add3A, %dma_start3A, %dma_start3A_33] : memref<32x79x128xi32, #tpu.memory_space<hbm>> -> memref<1x79x128xi32, #tpu.memory_space<hbm>>
      %dma_start3A_35 = tpu.memref_squeeze %dma_start3A_34 : memref<1x79x128xi32, #tpu.memory_space<hbm>> -> memref<79x128xi32, #tpu.memory_space<hbm>>
      %dma_start3A_36 = arith.constant 0 : i32
      %dma_start3A_37 = arith.constant 0 : i32
      %dma_start3A_38 = tpu.memref_slice %arg3[%add3A, %dma_start3A_36, %dma_start3A_37] : memref<32x79x128xi32, #tpu.memory_space<hbm>> -> memref<1x79x128xi32, #tpu.memory_space<hbm>>
      %dma_start3A_39 = tpu.memref_squeeze %dma_start3A_38 : memref<1x79x128xi32, #tpu.memory_space<hbm>> -> memref<79x128xi32, #tpu.memory_space<hbm>>
      tpu.enqueue_dma source(%dma_start3A_39 : memref<79x128xi32, #tpu.memory_space<hbm>>) target(%arg6 : memref<79x128xi32, #tpu.memory_space<vmem>>) target_semaphore(%run_scoped3A : memref<!tpu.dma_semaphore, #tpu.memory_space<semaphore_mem>>)
      %dma_wait3A = arith.constant 0 : i32
      %dma_wait3A_40 = arith.constant 0 : i32
      %dma_wait3A_41 = tpu.memref_slice %arg3[%add3A, %dma_wait3A, %dma_wait3A_40] : memref<32x79x128xi32, #tpu.memory_space<hbm>> -> memref<1x79x128xi32, #tpu.memory_space<hbm>>
      %dma_wait3A_42 = tpu.memref_squeeze %dma_wait3A_41 : memref<1x79x128xi32, #tpu.memory_space<hbm>> -> memref<79x128xi32, #tpu.memory_space<hbm>>
      %dma_wait3A_43 = arith.constant 0 : i32
      %dma_wait3A_44 = arith.constant 0 : i32
      %dma_wait3A_45 = tpu.memref_slice %arg3[%add3A, %dma_wait3A_43, %dma_wait3A_44] : memref<32x79x128xi32, #tpu.memory_space<hbm>> -> memref<1x79x128xi32, #tpu.memory_space<hbm>>
      %dma_wait3A_46 = tpu.memref_squeeze %dma_wait3A_45 : memref<1x79x128xi32, #tpu.memory_space<hbm>> -> memref<79x128xi32, #tpu.memory_space<hbm>>
      tpu.wait_dma2 semaphore(%run_scoped3A : memref<!tpu.dma_semaphore, #tpu.memory_space<semaphore_mem>>) src(%dma_wait3A_46 : memref<79x128xi32, #tpu.memory_space<hbm>>) dst(%arg6 : memref<79x128xi32, #tpu.memory_space<vmem>>)
      tpu.yield
    }) : () -> ()
    "tpu.region"() ({
      %run_scoped3A = tpu.sem_alloc : memref<!tpu.dma_semaphore, #tpu.memory_space<semaphore_mem>>
      %dma_start3A = arith.constant 0 : i32
      %dma_start3A_33 = arith.constant 0 : i32
      %dma_start3A_34 = tpu.memref_slice %arg4[%add3A, %dma_start3A, %dma_start3A_33] : memref<32x79x128xi32, #tpu.memory_space<hbm>> -> memref<1x79x128xi32, #tpu.memory_space<hbm>>
      %dma_start3A_35 = tpu.memref_squeeze %dma_start3A_34 : memref<1x79x128xi32, #tpu.memory_space<hbm>> -> memref<79x128xi32, #tpu.memory_space<hbm>>
      %dma_start3A_36 = arith.constant 0 : i32
      %dma_start3A_37 = arith.constant 0 : i32
      %dma_start3A_38 = tpu.memref_slice %arg4[%add3A, %dma_start3A_36, %dma_start3A_37] : memref<32x79x128xi32, #tpu.memory_space<hbm>> -> memref<1x79x128xi32, #tpu.memory_space<hbm>>
      %dma_start3A_39 = tpu.memref_squeeze %dma_start3A_38 : memref<1x79x128xi32, #tpu.memory_space<hbm>> -> memref<79x128xi32, #tpu.memory_space<hbm>>
      tpu.enqueue_dma source(%dma_start3A_39 : memref<79x128xi32, #tpu.memory_space<hbm>>) target(%arg7 : memref<79x128xi32, #tpu.memory_space<vmem>>) target_semaphore(%run_scoped3A : memref<!tpu.dma_semaphore, #tpu.memory_space<semaphore_mem>>)
      %dma_wait3A = arith.constant 0 : i32
      %dma_wait3A_40 = arith.constant 0 : i32
      %dma_wait3A_41 = tpu.memref_slice %arg4[%add3A, %dma_wait3A, %dma_wait3A_40] : memref<32x79x128xi32, #tpu.memory_space<hbm>> -> memref<1x79x128xi32, #tpu.memory_space<hbm>>
      %dma_wait3A_42 = tpu.memref_squeeze %dma_wait3A_41 : memref<1x79x128xi32, #tpu.memory_space<hbm>> -> memref<79x128xi32, #tpu.memory_space<hbm>>
      %dma_wait3A_43 = arith.constant 0 : i32
      %dma_wait3A_44 = arith.constant 0 : i32
      %dma_wait3A_45 = tpu.memref_slice %arg4[%add3A, %dma_wait3A_43, %dma_wait3A_44] : memref<32x79x128xi32, #tpu.memory_space<hbm>> -> memref<1x79x128xi32, #tpu.memory_space<hbm>>
      %dma_wait3A_46 = tpu.memref_squeeze %dma_wait3A_45 : memref<1x79x128xi32, #tpu.memory_space<hbm>> -> memref<79x128xi32, #tpu.memory_space<hbm>>
      tpu.wait_dma2 semaphore(%run_scoped3A : memref<!tpu.dma_semaphore, #tpu.memory_space<semaphore_mem>>) src(%dma_wait3A_46 : memref<79x128xi32, #tpu.memory_space<hbm>>) dst(%arg7 : memref<79x128xi32, #tpu.memory_space<vmem>>)
      tpu.yield
    }) : () -> ()
    %scan3A_21 = arith.constant 0 : i32
    %scan3A_22 = arith.constant 0 : i32
    %scan3A_23 = arith.constant 79 : i32
    %scan3A_24 = arith.addi %scan3A_22, %scan3A_23 : i32
    %scan3A_25 = arith.constant 1 : i32
    %scan3A_26 = scf.for %scan3A_33 = %scan3A_22 to %scan3A_24 step %scan3A_25 iter_args(%scan3A_34 = %scan3A_21) -> (i32)  : i32 {
      %dma_start3A = arith.constant 0 : i32
      %dma_start3A_35 = tpu.memref_slice %arg6[%scan3A_33, %dma_start3A] : memref<79x128xi32, #tpu.memory_space<vmem>> -> memref<1x128xi32, #tpu.memory_space<vmem>>
      %dma_start3A_36 = tpu.memref_squeeze %dma_start3A_35 : memref<1x128xi32, #tpu.memory_space<vmem>> -> memref<128xi32, #tpu.memory_space<vmem>>
      %dma_start3A_37 = arith.constant 0 : i32
      %dma_start3A_38 = arith.constant 0 : i32
      %dma_start3A_39 = tpu.memref_slice %arg2[%dma_start3A_37, %dma_start3A_38] : memref<10000x128xf32, #tpu.memory_space<hbm>> -> memref<10000x128xf32, #tpu.memory_space<hbm>>
      tpu.enqueue_indirect_dma source(%dma_start3A_39 : memref<10000x128xf32, #tpu.memory_space<hbm>>) target(%arg8 : memref<128x128xf32, #tpu.memory_space<vmem>>) offsets(%dma_start3A_36 : memref<128xi32, #tpu.memory_space<vmem>>) semaphore(%arg10 : memref<!tpu.dma_semaphore, #tpu.memory_space<semaphore_mem>>)
      %dma_wait3A = arith.constant 0 : i32
      %dma_wait3A_40 = tpu.memref_slice %arg6[%scan3A_33, %dma_wait3A] : memref<79x128xi32, #tpu.memory_space<vmem>> -> memref<1x128xi32, #tpu.memory_space<vmem>>
      %dma_wait3A_41 = tpu.memref_squeeze %dma_wait3A_40 : memref<1x128xi32, #tpu.memory_space<vmem>> -> memref<128xi32, #tpu.memory_space<vmem>>
      %dma_wait3A_42 = arith.constant 0 : i32
      %dma_wait3A_43 = arith.constant 0 : i32
      %dma_wait3A_44 = tpu.memref_slice %arg2[%dma_wait3A_42, %dma_wait3A_43] : memref<10000x128xf32, #tpu.memory_space<hbm>> -> memref<10000x128xf32, #tpu.memory_space<hbm>>
      tpu.wait_indirect_dma semaphore(%arg10 : memref<!tpu.dma_semaphore, #tpu.memory_space<semaphore_mem>>) src(%dma_wait3A_44 : memref<10000x128xf32, #tpu.memory_space<hbm>>) dst(%arg8 : memref<128x128xf32, #tpu.memory_space<vmem>>)
      "tpu.region"() ({
        %run_scoped3A = tpu.sem_alloc : memref<!tpu.dma_semaphore, #tpu.memory_space<semaphore_mem>>
        %dma_start3A_46 = arith.constant 0 : i32
        %dma_start3A_47 = tpu.memref_slice %arg7[%scan3A_33, %dma_start3A_46] : memref<79x128xi32, #tpu.memory_space<vmem>> -> memref<1x128xi32, #tpu.memory_space<vmem>>
        %dma_start3A_48 = tpu.memref_squeeze %dma_start3A_47 : memref<1x128xi32, #tpu.memory_space<vmem>> -> memref<128xi32, #tpu.memory_space<vmem>>
        %dma_start3A_49 = arith.constant 0 : i32
        %dma_start3A_50 = arith.constant 0 : i32
        %dma_start3A_51 = tpu.memref_slice %arg9[%dma_start3A_49, %dma_start3A_50] : memref<10112x128xf32, #tpu.memory_space<vmem_shared>> -> memref<10112x128xf32, #tpu.memory_space<vmem_shared>>
        tpu.enqueue_indirect_dma source(%arg8 : memref<128x128xf32, #tpu.memory_space<vmem>>) target(%dma_start3A_51 : memref<10112x128xf32, #tpu.memory_space<vmem_shared>>) offsets(%dma_start3A_48 : memref<128xi32, #tpu.memory_space<vmem>>) semaphore(%run_scoped3A : memref<!tpu.dma_semaphore, #tpu.memory_space<semaphore_mem>>) {add = true}
        %dma_wait3A_52 = arith.constant 0 : i32
        %dma_wait3A_53 = tpu.memref_slice %arg7[%scan3A_33, %dma_wait3A_52] : memref<79x128xi32, #tpu.memory_space<vmem>> -> memref<1x128xi32, #tpu.memory_space<vmem>>
        %dma_wait3A_54 = tpu.memref_squeeze %dma_wait3A_53 : memref<1x128xi32, #tpu.memory_space<vmem>> -> memref<128xi32, #tpu.memory_space<vmem>>
        %dma_wait3A_55 = arith.constant 0 : i32
        %dma_wait3A_56 = arith.constant 0 : i32
        %dma_wait3A_57 = tpu.memref_slice %arg9[%dma_wait3A_55, %dma_wait3A_56] : memref<10112x128xf32, #tpu.memory_space<vmem_shared>> -> memref<10112x128xf32, #tpu.memory_space<vmem_shared>>
        tpu.wait_indirect_dma semaphore(%run_scoped3A : memref<!tpu.dma_semaphore, #tpu.memory_space<semaphore_mem>>) src(%arg8 : memref<128x128xf32, #tpu.memory_space<vmem>>) dst(%dma_wait3A_57 : memref<10112x128xf32, #tpu.memory_space<vmem_shared>>)
        tpu.yield
      }) : () -> ()
      %scan3A_45 = arith.constant 0 : i32
      scf.yield %scan3A_45 : i32
    }
    %scan3A_27 = arith.constant 79 : i32
    %barrier3A_28 = arith.constant 0 : index
    tpu.barrier barrier_id(%barrier3A_28)
    %mul3A_29 = arith.constant 632 : i32
    %mul3A_30 = arith.muli %arg1, %mul3A_29 : i32
    %mul3A_31 = arith.constant 632 : i32
    %mul3A_32 = arith.muli %arg1, %mul3A_31 : i32
    "tpu.region"() ({
      %run_scoped3A = tpu.sem_alloc : memref<!tpu.dma_semaphore, #tpu.memory_space<semaphore_mem>>
      %dma_start3A = arith.constant 0 : i32
      %dma_start3A_33 = tpu.memref_slice %arg5[%arg0, %mul3A_32, %dma_start3A] : memref<2x10112x128xf32, #tpu.memory_space<hbm>> -> memref<1x632x128xf32, #tpu.memory_space<hbm>>
      %dma_start3A_34 = tpu.memref_squeeze %dma_start3A_33 : memref<1x632x128xf32, #tpu.memory_space<hbm>> -> memref<632x128xf32, #tpu.memory_space<hbm>>
      %dma_start3A_35 = arith.constant 0 : i32
      %dma_start3A_36 = tpu.memref_slice %arg9[%mul3A_30, %dma_start3A_35] : memref<10112x128xf32, #tpu.memory_space<vmem_shared>> -> memref<632x128xf32, #tpu.memory_space<vmem_shared>>
      tpu.enqueue_dma source(%dma_start3A_36 : memref<632x128xf32, #tpu.memory_space<vmem_shared>>) target(%dma_start3A_34 : memref<632x128xf32, #tpu.memory_space<hbm>>) target_semaphore(%run_scoped3A : memref<!tpu.dma_semaphore, #tpu.memory_space<semaphore_mem>>)
      %dma_wait3A = arith.constant 0 : i32
      %dma_wait3A_37 = tpu.memref_slice %arg5[%arg0, %mul3A_32, %dma_wait3A] : memref<2x10112x128xf32, #tpu.memory_space<hbm>> -> memref<1x632x128xf32, #tpu.memory_space<hbm>>
      %dma_wait3A_38 = tpu.memref_squeeze %dma_wait3A_37 : memref<1x632x128xf32, #tpu.memory_space<hbm>> -> memref<632x128xf32, #tpu.memory_space<hbm>>
      %dma_wait3A_39 = arith.constant 0 : i32
      %dma_wait3A_40 = tpu.memref_slice %arg9[%mul3A_30, %dma_wait3A_39] : memref<10112x128xf32, #tpu.memory_space<vmem_shared>> -> memref<632x128xf32, #tpu.memory_space<vmem_shared>>
      tpu.wait_dma2 semaphore(%run_scoped3A : memref<!tpu.dma_semaphore, #tpu.memory_space<semaphore_mem>>) src(%dma_wait3A_40 : memref<632x128xf32, #tpu.memory_space<vmem_shared>>) dst(%dma_wait3A_38 : memref<632x128xf32, #tpu.memory_space<hbm>>)
      tpu.yield
    }) : () -> ()
    return
  }
}

module attributes {stable_mosaic.version = 14 : i64} {
  func.func @body(%arg0: memref<2x10240xf32, #tpu.memory_space<vmem>>, %arg1: memref<10240x1xf32, #tpu.memory_space<vmem>>) attributes {dimension_semantics = [], scalar_prefetch = 0 : i64, scratch_operands = 0 : i64, tpu.core_type = #tpu.core_type<tc>} {
    %get3A = arith.constant 0 : index
    %get3A_0 = arith.constant 0 : index
    %get3A_1 = vector.load %arg0[%get3A, %get3A_0] : memref<2x10240xf32, #tpu.memory_space<vmem>>, vector<1x10240xf32>
    %get3A_2 = vector.shape_cast %get3A_1 : vector<1x10240xf32> to vector<10240xf32>
    %get3A_3 = arith.constant 1 : index
    %get3A_4 = arith.constant 0 : index
    %get3A_5 = vector.load %arg0[%get3A_3, %get3A_4] : memref<2x10240xf32, #tpu.memory_space<vmem>>, vector<1x10240xf32>
    %get3A_6 = vector.shape_cast %get3A_5 : vector<1x10240xf32> to vector<10240xf32>
    %add3A = arith.addf %get3A_2, %get3A_6 : vector<10240xf32>
    %add3A_7 = arith.constant 1.000000e+00 : f32
    %add3A_8 = vector.broadcast %add3A_7 : f32 to vector<10240xf32>
    %add3A_9 = arith.addf %add3A, %add3A_8 : vector<10240xf32>
    %rsqrt3A = math.rsqrt %add3A_9 : vector<10240xf32>
    %broadcast_in_dim3A = vector.shape_cast %rsqrt3A : vector<10240xf32> to vector<10240x1xf32>
    %swap3A = arith.constant 0 : index
    %swap3A_10 = arith.constant 0 : index
    %swap3A_11 = vector.load %arg1[%swap3A, %swap3A_10] : memref<10240x1xf32, #tpu.memory_space<vmem>>, vector<10240x1xf32>
    tpu.vector_store %arg1[%swap3A, %swap3A_10], %broadcast_in_dim3A {strides = array<i32>} : memref<10240x1xf32, #tpu.memory_space<vmem>>, vector<10240x1xf32>,
    return
  }
}

module attributes {stable_mosaic.version = 14 : i64} {
  func.func @body(%arg0: i32, %arg1: memref<2000x128xf32, #tpu.memory_space<vmem>>, %arg2: memref<128x128xf32, #tpu.memory_space<vmem>>, %arg3: memref<2000x1xf32, #tpu.memory_space<vmem>>, %arg4: memref<2000x128xf32, #tpu.memory_space<vmem>>) attributes {dimension_semantics = [#tpu.dimension_semantics<arbitrary>], iteration_bounds = array<i64: 5>, scalar_prefetch = 0 : i64, scratch_operands = 0 : i64, tpu.core_type = #tpu.core_type<tc>, window_params = [{transform_indices = @transform_0, window_bounds = array<i64: 2000, 128>}, {pipeline_mode = #tpu.pipeline_mode<synchronous>, transform_indices = @transform_1, window_bounds = array<i64: 128, 128>}, {transform_indices = @transform_2, window_bounds = array<i64: 2000, 1>}, {transform_indices = @transform_3, window_bounds = array<i64: 2000, 128>}]} {
    %get3A = arith.constant 0 : index
    %get3A_0 = arith.constant 0 : index
    %get3A_1 = vector.load %arg1[%get3A, %get3A_0] : memref<2000x128xf32, #tpu.memory_space<vmem>>, vector<2000x128xf32>
    %get3A_2 = arith.constant 0 : index
    %get3A_3 = arith.constant 0 : index
    %get3A_4 = vector.load %arg2[%get3A_2, %get3A_3] : memref<128x128xf32, #tpu.memory_space<vmem>>, vector<128x128xf32>
    %dot_general3A = arith.constant dense<0.000000e+00> : vector<2000x128xf32>
    %dot_general3A_5 = tpu.matmul %get3A_1, %get3A_4, %dot_general3A {dimension_numbers = #tpu.dot_dimension_numbers<[1], [0], [0], [1], [0, 0, 1, 1], [], []>, transpose_lhs_hint = false} : vector<2000x128xf32>, vector<128x128xf32>, vector<2000x128xf32> -> vector<2000x128xf32>
    %get3A_6 = arith.constant 0 : index
    %get3A_7 = arith.constant 0 : index
    %get3A_8 = vector.load %arg3[%get3A_6, %get3A_7] : memref<2000x1xf32, #tpu.memory_space<vmem>>, vector<2000x1xf32>
    %mul3A = vector.broadcast %get3A_8 : vector<2000x1xf32> to vector<2000x128xf32>
    %mul3A_9 = arith.mulf %dot_general3A_5, %mul3A : vector<2000x128xf32>
    %swap3A = arith.constant 0 : index
    %swap3A_10 = arith.constant 0 : index
    %swap3A_11 = vector.load %arg4[%swap3A, %swap3A_10] : memref<2000x128xf32, #tpu.memory_space<vmem>>, vector<2000x128xf32>
    tpu.vector_store %arg4[%swap3A, %swap3A_10], %mul3A_9 {strides = array<i32>} : memref<2000x128xf32, #tpu.memory_space<vmem>>, vector<2000x128xf32>,
    return
  }
  func.func @transform_0(%arg0: i32) -> (i32, i32) {
    %c0_i32 = arith.constant 0 : i32
    %c0_i32_0 = arith.constant 0 : i32
    return %arg0, %c0_i32 : i32, i32
  }
  func.func @transform_1(%arg0: i32) -> (i32, i32) {
    %c0_i32 = arith.constant 0 : i32
    %c0_i32_0 = arith.constant 0 : i32
    %c0_i32_1 = arith.constant 0 : i32
    return %c0_i32, %c0_i32_0 : i32, i32
  }
  func.func @transform_2(%arg0: i32) -> (i32, i32) {
    %c0_i32 = arith.constant 0 : i32
    %c0_i32_0 = arith.constant 0 : i32
    return %arg0, %c0_i32 : i32, i32
  }
  func.func @transform_3(%arg0: i32) -> (i32, i32) {
    %c0_i32 = arith.constant 0 : i32
    %c0_i32_0 = arith.constant 0 : i32
    return %arg0, %c0_i32 : i32, i32
  }
}

module attributes {stable_mosaic.version = 14 : i64} {
  func.func @body(%arg0: i32, %arg1: memref<2x2000x128xf32, #tpu.memory_space<vmem>>, %arg2: memref<2000x128xf32, #tpu.memory_space<vmem>>, %arg3: memref<2000x1xf32, #tpu.memory_space<vmem>>, %arg4: memref<128x128xf32, #tpu.memory_space<vmem>>, %arg5: memref<1x128xf32, #tpu.memory_space<vmem>>, %arg6: memref<2000x128xf32, #tpu.memory_space<vmem>>) attributes {dimension_semantics = [#tpu.dimension_semantics<arbitrary>], iteration_bounds = array<i64: 5>, scalar_prefetch = 0 : i64, scratch_operands = 0 : i64, tpu.core_type = #tpu.core_type<tc>, window_params = [{transform_indices = @transform_0, window_bounds = array<i64: 2, 2000, 128>}, {transform_indices = @transform_1, window_bounds = array<i64: 2000, 128>}, {transform_indices = @transform_2, window_bounds = array<i64: 2000, 1>}, {pipeline_mode = #tpu.pipeline_mode<synchronous>, transform_indices = @transform_3, window_bounds = array<i64: 128, 128>}, {pipeline_mode = #tpu.pipeline_mode<synchronous>, transform_indices = @transform_4, window_bounds = array<i64: 1, 128>}, {transform_indices = @transform_5, window_bounds = array<i64: 2000, 128>}]} {
    %get3A = arith.constant 0 : index
    %get3A_0 = arith.constant 0 : index
    %get3A_1 = arith.constant 0 : index
    %get3A_2 = vector.load %arg1[%get3A, %get3A_0, %get3A_1] : memref<2x2000x128xf32, #tpu.memory_space<vmem>>, vector<1x2000x128xf32>
    %get3A_3 = vector.shape_cast %get3A_2 : vector<1x2000x128xf32> to vector<2000x128xf32>
    %get3A_4 = arith.constant 1 : index
    %get3A_5 = arith.constant 0 : index
    %get3A_6 = arith.constant 0 : index
    %get3A_7 = vector.load %arg1[%get3A_4, %get3A_5, %get3A_6] : memref<2x2000x128xf32, #tpu.memory_space<vmem>>, vector<1x2000x128xf32>
    %get3A_8 = vector.shape_cast %get3A_7 : vector<1x2000x128xf32> to vector<2000x128xf32>
    %add3A = arith.addf %get3A_3, %get3A_8 : vector<2000x128xf32>
    %get3A_9 = arith.constant 0 : index
    %get3A_10 = arith.constant 0 : index
    %get3A_11 = vector.load %arg2[%get3A_9, %get3A_10] : memref<2000x128xf32, #tpu.memory_space<vmem>>, vector<2000x128xf32>
    %add3A_12 = arith.addf %add3A, %get3A_11 : vector<2000x128xf32>
    %get3A_13 = arith.constant 0 : index
    %get3A_14 = arith.constant 0 : index
    %get3A_15 = vector.load %arg3[%get3A_13, %get3A_14] : memref<2000x1xf32, #tpu.memory_space<vmem>>, vector<2000x1xf32>
    %mul3A = vector.broadcast %get3A_15 : vector<2000x1xf32> to vector<2000x128xf32>
    %mul3A_16 = arith.mulf %add3A_12, %mul3A : vector<2000x128xf32>
    %get3A_17 = arith.constant 0 : index
    %get3A_18 = arith.constant 0 : index
    %get3A_19 = vector.load %arg5[%get3A_17, %get3A_18] : memref<1x128xf32, #tpu.memory_space<vmem>>, vector<1x128xf32>
    %add3A_20 = vector.broadcast %get3A_19 : vector<1x128xf32> to vector<2000x128xf32>
    %add3A_21 = arith.addf %mul3A_16, %add3A_20 : vector<2000x128xf32>
    %max3A = arith.constant 0.000000e+00 : f32
    %max3A_22 = vector.broadcast %max3A : f32 to vector<2000x128xf32>
    %max3A_23 = arith.maximumf %add3A_21, %max3A_22 : vector<2000x128xf32>
    %get3A_24 = arith.constant 0 : index
    %get3A_25 = arith.constant 0 : index
    %get3A_26 = vector.load %arg4[%get3A_24, %get3A_25] : memref<128x128xf32, #tpu.memory_space<vmem>>, vector<128x128xf32>
    %dot_general3A = arith.constant dense<0.000000e+00> : vector<2000x128xf32>
    %dot_general3A_27 = tpu.matmul %max3A_23, %get3A_26, %dot_general3A {dimension_numbers = #tpu.dot_dimension_numbers<[1], [0], [0], [1], [0, 0, 1, 1], [], []>, transpose_lhs_hint = false} : vector<2000x128xf32>, vector<128x128xf32>, vector<2000x128xf32> -> vector<2000x128xf32>
    %get3A_28 = arith.constant 0 : index
    %get3A_29 = arith.constant 0 : index
    %get3A_30 = vector.load %arg3[%get3A_28, %get3A_29] : memref<2000x1xf32, #tpu.memory_space<vmem>>, vector<2000x1xf32>
    %mul3A_31 = vector.broadcast %get3A_30 : vector<2000x1xf32> to vector<2000x128xf32>
    %mul3A_32 = arith.mulf %dot_general3A_27, %mul3A_31 : vector<2000x128xf32>
    %swap3A = arith.constant 0 : index
    %swap3A_33 = arith.constant 0 : index
    %swap3A_34 = vector.load %arg6[%swap3A, %swap3A_33] : memref<2000x128xf32, #tpu.memory_space<vmem>>, vector<2000x128xf32>
    tpu.vector_store %arg6[%swap3A, %swap3A_33], %mul3A_32 {strides = array<i32>} : memref<2000x128xf32, #tpu.memory_space<vmem>>, vector<2000x128xf32>,
    return
  }
  func.func @transform_0(%arg0: i32) -> (i32, i32, i32) {
    %c0_i32 = arith.constant 0 : i32
    %c0_i32_0 = arith.constant 0 : i32
    %c0_i32_1 = arith.constant 0 : i32
    return %c0_i32, %arg0, %c0_i32_0 : i32, i32, i32
  }
  func.func @transform_1(%arg0: i32) -> (i32, i32) {
    %c0_i32 = arith.constant 0 : i32
    %c0_i32_0 = arith.constant 0 : i32
    return %arg0, %c0_i32 : i32, i32
  }
  func.func @transform_2(%arg0: i32) -> (i32, i32) {
    %c0_i32 = arith.constant 0 : i32
    %c0_i32_0 = arith.constant 0 : i32
    return %arg0, %c0_i32 : i32, i32
  }
  func.func @transform_3(%arg0: i32) -> (i32, i32) {
    %c0_i32 = arith.constant 0 : i32
    %c0_i32_0 = arith.constant 0 : i32
    %c0_i32_1 = arith.constant 0 : i32
    return %c0_i32, %c0_i32_0 : i32, i32
  }
  func.func @transform_4(%arg0: i32) -> (i32, i32) {
    %c0_i32 = arith.constant 0 : i32
    %c0_i32_0 = arith.constant 0 : i32
    %c0_i32_1 = arith.constant 0 : i32
    return %c0_i32, %c0_i32_0 : i32, i32
  }
  func.func @transform_5(%arg0: i32) -> (i32, i32) {
    %c0_i32 = arith.constant 0 : i32
    %c0_i32_0 = arith.constant 0 : i32
    return %arg0, %c0_i32 : i32, i32
  }
}

module attributes {stable_mosaic.version = 14 : i64} {
  func.func @body(%arg0: i32, %arg1: memref<2x2000x128xf32, #tpu.memory_space<vmem>>, %arg2: memref<2000x128xf32, #tpu.memory_space<vmem>>, %arg3: memref<2000x1xf32, #tpu.memory_space<vmem>>, %arg4: memref<1x128xf32, #tpu.memory_space<vmem>>, %arg5: memref<128x64xf32, #tpu.memory_space<vmem>>, %arg6: memref<1x64xf32, #tpu.memory_space<vmem>>, %arg7: memref<1x64xf32, #tpu.memory_space<vmem>>, %arg8: memref<1x128xf32, #tpu.memory_space<vmem>>) attributes {dimension_semantics = [#tpu.dimension_semantics<arbitrary>], iteration_bounds = array<i64: 5>, scalar_prefetch = 0 : i64, scratch_operands = 1 : i64, tpu.core_type = #tpu.core_type<tc>, window_params = [{transform_indices = @transform_0, window_bounds = array<i64: 2, 2000, 128>}, {transform_indices = @transform_1, window_bounds = array<i64: 2000, 128>}, {transform_indices = @transform_2, window_bounds = array<i64: 2000, 1>}, {pipeline_mode = #tpu.pipeline_mode<synchronous>, transform_indices = @transform_3, window_bounds = array<i64: 1, 128>}, {pipeline_mode = #tpu.pipeline_mode<synchronous>, transform_indices = @transform_4, window_bounds = array<i64: 128, 64>}, {pipeline_mode = #tpu.pipeline_mode<synchronous>, transform_indices = @transform_5, window_bounds = array<i64: 1, 64>}, {pipeline_mode = #tpu.pipeline_mode<synchronous>, transform_indices = @transform_6, window_bounds = array<i64: 1, 64>}]} {
    %get3A = arith.constant 0 : index
    %get3A_0 = arith.constant 0 : index
    %get3A_1 = arith.constant 0 : index
    %get3A_2 = vector.load %arg1[%get3A, %get3A_0, %get3A_1] : memref<2x2000x128xf32, #tpu.memory_space<vmem>>, vector<1x2000x128xf32>
    %get3A_3 = vector.shape_cast %get3A_2 : vector<1x2000x128xf32> to vector<2000x128xf32>
    %get3A_4 = arith.constant 1 : index
    %get3A_5 = arith.constant 0 : index
    %get3A_6 = arith.constant 0 : index
    %get3A_7 = vector.load %arg1[%get3A_4, %get3A_5, %get3A_6] : memref<2x2000x128xf32, #tpu.memory_space<vmem>>, vector<1x2000x128xf32>
    %get3A_8 = vector.shape_cast %get3A_7 : vector<1x2000x128xf32> to vector<2000x128xf32>
    %add3A = arith.addf %get3A_3, %get3A_8 : vector<2000x128xf32>
    %get3A_9 = arith.constant 0 : index
    %get3A_10 = arith.constant 0 : index
    %get3A_11 = vector.load %arg2[%get3A_9, %get3A_10] : memref<2000x128xf32, #tpu.memory_space<vmem>>, vector<2000x128xf32>
    %add3A_12 = arith.addf %add3A, %get3A_11 : vector<2000x128xf32>
    %get3A_13 = arith.constant 0 : index
    %get3A_14 = arith.constant 0 : index
    %get3A_15 = vector.load %arg3[%get3A_13, %get3A_14] : memref<2000x1xf32, #tpu.memory_space<vmem>>, vector<2000x1xf32>
    %mul3A = vector.broadcast %get3A_15 : vector<2000x1xf32> to vector<2000x128xf32>
    %mul3A_16 = arith.mulf %add3A_12, %mul3A : vector<2000x128xf32>
    %get3A_17 = arith.constant 0 : index
    %get3A_18 = arith.constant 0 : index
    %get3A_19 = vector.load %arg4[%get3A_17, %get3A_18] : memref<1x128xf32, #tpu.memory_space<vmem>>, vector<1x128xf32>
    %add3A_20 = vector.broadcast %get3A_19 : vector<1x128xf32> to vector<2000x128xf32>
    %add3A_21 = arith.addf %mul3A_16, %add3A_20 : vector<2000x128xf32>
    %max3A = arith.constant 0.000000e+00 : f32
    %max3A_22 = vector.broadcast %max3A : f32 to vector<2000x128xf32>
    %max3A_23 = arith.maximumf %add3A_21, %max3A_22 : vector<2000x128xf32>
    %reduce_sum3A = arith.constant dense<0.000000e+00> : vector<128xf32>
    %reduce_sum3A_24 = vector.multi_reduction <add>, %max3A_23, %reduce_sum3A [0] : vector<2000x128xf32> to vector<128xf32>
    %broadcast_in_dim3A = vector.shape_cast %reduce_sum3A_24 : vector<128xf32> to vector<1x128xf32>
    %eq3A = arith.constant 0 : i32
    %eq3A_25 = arith.cmpi eq, %arg0, %eq3A : i32
    %convert_element_type3A = arith.extui %eq3A_25 : i1 to i32
    %cond3A = arith.constant 0 : i32
    %cond3A_26 = arith.cmpi ne, %convert_element_type3A, %cond3A : i32
    scf.if %cond3A_26 {
      %swap3A = arith.constant 0 : index
      %swap3A_36 = arith.constant 0 : index
      %swap3A_37 = vector.load %arg8[%swap3A, %swap3A_36] : memref<1x128xf32, #tpu.memory_space<vmem>>, vector<1x128xf32>
      tpu.vector_store %arg8[%swap3A, %swap3A_36], %broadcast_in_dim3A {strides = array<i32>} : memref<1x128xf32, #tpu.memory_space<vmem>>, vector<1x128xf32>,
    } else {
    }
    %gt3A = arith.constant 0 : i32
    %gt3A_27 = arith.cmpi sgt, %arg0, %gt3A : i32
    %convert_element_type3A_28 = arith.extui %gt3A_27 : i1 to i32
    %cond3A_29 = arith.constant 0 : i32
    %cond3A_30 = arith.cmpi ne, %convert_element_type3A_28, %cond3A_29 : i32
    scf.if %cond3A_30 {
      %get3A_36 = arith.constant 0 : index
      %get3A_37 = arith.constant 0 : index
      %get3A_38 = vector.load %arg8[%get3A_36, %get3A_37] : memref<1x128xf32, #tpu.memory_space<vmem>>, vector<1x128xf32>
      %add3A_39 = arith.addf %get3A_38, %broadcast_in_dim3A : vector<1x128xf32>
      %swap3A = arith.constant 0 : index
      %swap3A_40 = arith.constant 0 : index
      %swap3A_41 = vector.load %arg8[%swap3A, %swap3A_40] : memref<1x128xf32, #tpu.memory_space<vmem>>, vector<1x128xf32>
      tpu.vector_store %arg8[%swap3A, %swap3A_40], %add3A_39 {strides = array<i32>} : memref<1x128xf32, #tpu.memory_space<vmem>>, vector<1x128xf32>,
    } else {
    }
    %eq3A_31 = arith.constant 4 : i32
    %eq3A_32 = arith.cmpi eq, %arg0, %eq3A_31 : i32
    %convert_element_type3A_33 = arith.extui %eq3A_32 : i1 to i32
    %cond3A_34 = arith.constant 0 : i32
    %cond3A_35 = arith.cmpi ne, %convert_element_type3A_33, %cond3A_34 : i32
    scf.if %cond3A_35 {
      %get3A_36 = arith.constant 0 : index
      %get3A_37 = arith.constant 0 : index
      %get3A_38 = vector.load %arg8[%get3A_36, %get3A_37] : memref<1x128xf32, #tpu.memory_space<vmem>>, vector<1x128xf32>
      %mul3A_39 = arith.constant 9.99999974E-5 : f32
      %mul3A_40 = vector.broadcast %mul3A_39 : f32 to vector<1x128xf32>
      %mul3A_41 = arith.mulf %get3A_38, %mul3A_40 : vector<1x128xf32>
      %get3A_42 = arith.constant 0 : index
      %get3A_43 = arith.constant 0 : index
      %get3A_44 = vector.load %arg5[%get3A_42, %get3A_43] : memref<128x64xf32, #tpu.memory_space<vmem>>, vector<128x64xf32>
      %dot_general3A = arith.constant dense<0.000000e+00> : vector<1x64xf32>
      %dot_general3A_45 = tpu.matmul %mul3A_41, %get3A_44, %dot_general3A {dimension_numbers = #tpu.dot_dimension_numbers<[1], [0], [0], [1], [0, 0, 1, 1], [], []>, transpose_lhs_hint = false} : vector<1x128xf32>, vector<128x64xf32>, vector<1x64xf32> -> vector<1x64xf32>
      %get3A_46 = arith.constant 0 : index
      %get3A_47 = arith.constant 0 : index
      %get3A_48 = vector.load %arg6[%get3A_46, %get3A_47] : memref<1x64xf32, #tpu.memory_space<vmem>>, vector<1x64xf32>
      %add3A_49 = arith.addf %dot_general3A_45, %get3A_48 : vector<1x64xf32>
      %swap3A = arith.constant 0 : index
      %swap3A_50 = arith.constant 0 : index
      %swap3A_51 = vector.load %arg7[%swap3A, %swap3A_50] : memref<1x64xf32, #tpu.memory_space<vmem>>, vector<1x64xf32>
      tpu.vector_store %arg7[%swap3A, %swap3A_50], %add3A_49 {strides = array<i32>} : memref<1x64xf32, #tpu.memory_space<vmem>>, vector<1x64xf32>,
    } else {
    }
    return
  }
  func.func @transform_0(%arg0: i32) -> (i32, i32, i32) {
    %c0_i32 = arith.constant 0 : i32
    %c0_i32_0 = arith.constant 0 : i32
    %c0_i32_1 = arith.constant 0 : i32
    return %c0_i32, %arg0, %c0_i32_0 : i32, i32, i32
  }
  func.func @transform_1(%arg0: i32) -> (i32, i32) {
    %c0_i32 = arith.constant 0 : i32
    %c0_i32_0 = arith.constant 0 : i32
    return %arg0, %c0_i32 : i32, i32
  }
  func.func @transform_2(%arg0: i32) -> (i32, i32) {
    %c0_i32 = arith.constant 0 : i32
    %c0_i32_0 = arith.constant 0 : i32
    return %arg0, %c0_i32 : i32, i32
  }
  func.func @transform_3(%arg0: i32) -> (i32, i32) {
    %c0_i32 = arith.constant 0 : i32
    %c0_i32_0 = arith.constant 0 : i32
    %c0_i32_1 = arith.constant 0 : i32
    return %c0_i32, %c0_i32_0 : i32, i32
  }
  func.func @transform_4(%arg0: i32) -> (i32, i32) {
    %c0_i32 = arith.constant 0 : i32
    %c0_i32_0 = arith.constant 0 : i32
    %c0_i32_1 = arith.constant 0 : i32
    return %c0_i32, %c0_i32_0 : i32, i32
  }
  func.func @transform_5(%arg0: i32) -> (i32, i32) {
    %c0_i32 = arith.constant 0 : i32
    %c0_i32_0 = arith.constant 0 : i32
    %c0_i32_1 = arith.constant 0 : i32
    return %c0_i32, %c0_i32_0 : i32, i32
  }
  func.func @transform_6(%arg0: i32) -> (i32, i32) {
    %c0_i32 = arith.constant 0 : i32
    %c0_i32_0 = arith.constant 0 : i32
    %c0_i32_1 = arith.constant 0 : i32
    return %c0_i32, %c0_i32_0 : i32, i32
  }
}

</mosaic_0001>

<sc_bundles>
// kernel: kernel.12.cloned.1.call-start
scs
__scs_entry_jumppad:
0x0: {  	(pc) =	sbr.rel $0x88, $3  }
0x1: {  	(tag) =	ssettag $0x0;
	lr =	simm.s32 $0x1  }
0x2: {  	[smem:$0x3F99] =	sst lr;
	_ =	strace $0xD0000000  }
0x3: {  	_ = 	snop  }
0x4: {  	_ = 	snop  }
0x5: {  	_ = 	snop  }
0x6: {  	_ = 	snop  }
0x7: {  	_ = 	snop  }
__scs_overlays_trampoline_lowered:
0x8: {  	[smem:$0x3FA8] =	sst s0  }
0x9: {  	[smem:$0x3FA9] =	sst s1  }
0xa: {  	[smem:$0x3FAA] =	sst s2  }
0xb: {  	[smem:$0x3FAB] =	sst s3  }
0xc: {  	[smem:$0x3FAC] =	sst s4  }
0xd: {  	[smem:$0x3FAD] =	sst s5  }
0xe: {  	[smem:$0x3FAE] =	sst s6  }
0xf: {  	[smem:$0x3FAF] =	sst s7  }
0x10: {  	[smem:$0x3FB0] =	sst s8  }
0x11: {  	[smem:$0x3FB1] =	sst s9;
	s0 =	simm.s32 @!p0 $0x0  }
0x12: {  	s1 =	sld [smem:$0x3F97];
	s0 =	simm.s32 @p0 $0x1  }
0x13: {  	[smem:$0x3FB2] =	sst s0;
	s0 =	simm.s32 @!p1 $0x0  }
0x14: {  	s2 =	sld [smem:$0x3F96];
	s0 =	simm.s32 @p1 $0x1  }
0x15: {  	[smem:$0x3FB3] =	sst s0;
	s0 =	simm.s32 @!p2 $0x0  }
0x16: {  	s3 =	sld [smem:$0x3FDB];
	s0 =	simm.s32 @p2 $0x1  }
0x17: {  	s4 =	simm.s32 $0x1BF5;
	[smem:$0x3FB5] =	sst s0  }
0x18: {  	s0 =	sld [smem:$0x3F98];
	_ =	swait.ge [sflag:s4], $0x0  }
0x19: {  	s7 =	sld [smem:$0x3F99]  }
0x1a: {  	s8 =	sadd.s32 $0xFFFFE003, lr  }
0x1b: {  	s9 =	sadd.s32 $0xFFFFFEF7, lr;
	s5 =	simm.s32 $0xFFFFFFFF;
	p2 =	slt.u32 s8, $0xFFFFF086  }
0x1c: {  	p1 =	slt.u32 s9, $0xF7A;
	s5 =	simm.s32 @!p2 $0x0  }
0x1d: {  	s5 =	simm.s32 @p1 $0x1;
	p0 =	seq.s32 s7, s2  }
0x1e: {  	s7 =	smul.u32 @!p0 $0xF7A, s2;
	p2 =	seq.s32 @!p0 s5, $0x0  }
0x1f: {  	s9 =	smul.u32 $0xF7A, s1;
	s8 =	simm.s32 @!p0 $0x1BF5;
	p2 =	por !p2, p0  }
0x20: {  	[sflag:s8] =	ssyncset.s32 @!p0 $0xFFFFF086;
	s6 =	sadd.s32 @!p0 s3, s7;
	s7 =	simm.s32 @!p0 $0x108  }
0x21: {  	s3 =	sadd.s32 s3, s9;
	s6 =	sadd.s32 @!p0 $0x88, s6;
	s7 =	simm.s32 @p2 $0x1082  }
0x22: {  	[simem:s7], [sflag:s8] =	dma.local @!p0 [hbm:s6], $0xF7A  }
0x23: {  	s9 =	sor.u32 $0xD0000000, s2;
	s6 =	simm.s32 $0x108;
	_ =	swait.ge @!p0 [sflag:s8], $0x0  }
0x24: {  	s3 =	sadd.s32 $0x88, s3;
	s6 =	simm.s32 @!p1 $0x1082;
	[sflag:s4] =	ssyncset.s32 $0xFFFFF086  }
0x25: {  	[simem:s6], [sflag:s4] =	dma.local [hbm:s3], $0xF7A  }
0x26: {  	[smem:$0x3F99] =	sst s1;
	(tag) =	ssettag s2;
	_ =	strace s9  }
0x27: {  	s1 =	sld [smem:$0x3FA9]  }
0x28: {  	s2 =	sld [smem:$0x3FAA]  }
0x29: {  	s4 =	sld [smem:$0x3FAC]  }
0x2a: {  	p0 =	seq.s32 s5, $0x0;
	s5 =	sld [smem:$0x3FAD]  }
0x2b: {  	s6 =	sld [smem:$0x3FAE]  }
0x2c: {  	s7 =	sld [smem:$0x3FAF]  }
0x2d: {  	s3 =	simm.s32 $0x108;
	s8 =	sld [smem:$0x3FB0]  }
0x2e: {  	s3 =	simm.s32 @!p0 $0x1082;
	s9 =	sld [smem:$0x3FB1]  }
0x2f: {  	lr =	sadd.s32 s0, s3;
	s0 =	sld [smem:$0x3FA8]  }
0x30: {  	s3 =	sld [smem:$0x3FAB]  }
0x31: {  	[smem:$0x3FB4] =	sst s10  }
0x32: {  	s10 =	sld [smem:$0x3FB2];
	_ =	sdelay $0x3  }
0x33: {  	p0 =	seq.s32 s10, $0x1;
	s10 =	sld [smem:$0x3FB4];
	_ =	sdelay $0x3  }
0x34: {  	[smem:$0x3FB4] =	sst s10  }
0x35: {  	s10 =	sld [smem:$0x3FB3];
	_ =	sdelay $0x3  }
0x36: {  	p1 =	seq.s32 s10, $0x1;
	s10 =	sld [smem:$0x3FB4];
	_ =	sdelay $0x3  }
0x37: {  	[smem:$0x3FB4] =	sst s10  }
0x38: {  	s10 =	sld [smem:$0x3FB5]  }
0x39: {  	_ = 	snop;
	(pc) =	sbr.ind lr, $3  }
0x3a: {  	_ = 	snop  }
0x3b: {  	_ = 	snop  }
0x3c: {  	p2 =	seq.s32 s10, $0x1;
	s10 =	sld [smem:$0x3FB4]  }
0x3d: {  	_ =	shalt  }
0x3e: {  	_ =	shalt  }
0x3f: {  	_ =	shalt  }
0x40: {  	_ =	shalt  }
0x41: {  	_ =	shalt  }
0x42: {  	_ =	shalt  }
0x43: {  	_ =	shalt  }
0x44: {  	_ =	shalt  }
0x45: {  	_ =	shalt  }
0x46: {  	_ =	shalt  }
0x47: {  	_ =	shalt  }
0x48: {  	_ =	shalt  }
0x49: {  	_ =	shalt  }
0x4a: {  	_ =	shalt  }
0x4b: {  	_ =	shalt  }
0x4c: {  	_ =	shalt  }
0x4d: {  	_ =	shalt  }
0x4e: {  	_ =	shalt  }
0x4f: {  	_ =	shalt  }
0x50: {  	_ =	shalt  }
0x51: {  	_ =	shalt  }
0x52: {  	_ =	shalt  }
0x53: {  	_ =	shalt  }
0x54: {  	_ =	shalt  }
0x55: {  	_ =	shalt  }
0x56: {  	_ =	shalt  }
0x57: {  	_ =	shalt  }
0x58: {  	_ =	shalt  }
0x59: {  	_ =	shalt  }
0x5a: {  	_ =	shalt  }
0x5b: {  	_ =	shalt  }
0x5c: {  	_ =	shalt  }
0x5d: {  	_ =	shalt  }
0x5e: {  	_ =	shalt  }
0x5f: {  	_ =	shalt  }
0x60: {  	_ =	shalt  }
0x61: {  	_ =	shalt  }
0x62: {  	_ =	shalt  }
0x63: {  	_ =	shalt  }
0x64: {  	_ =	shalt  }
0x65: {  	_ =	shalt  }
0x66: {  	_ =	shalt  }
0x67: {  	_ =	shalt  }
0x68: {  	_ =	shalt  }
0x69: {  	_ =	shalt  }
0x6a: {  	_ =	shalt  }
0x6b: {  	_ =	shalt  }
0x6c: {  	_ =	shalt  }
0x6d: {  	_ =	shalt  }
0x6e: {  	_ =	shalt  }
0x6f: {  	_ =	shalt  }
0x70: {  	_ =	shalt  }
0x71: {  	_ =	shalt  }
0x72: {  	_ =	shalt  }
0x73: {  	_ =	shalt  }
0x74: {  	_ =	shalt  }
0x75: {  	_ =	shalt  }
0x76: {  	_ =	shalt  }
0x77: {  	_ =	shalt  }
0x78: {  	_ =	shalt  }
0x79: {  	_ =	shalt  }
0x7a: {  	_ =	shalt  }
0x7b: {  	_ =	shalt  }
0x7c: {  	_ =	shalt  }
0x7d: {  	_ =	shalt  }
0x7e: {  	_ =	shalt  }
0x7f: {  	_ =	shalt  }
0x80: {  	_ =	shalt  }
0x81: {  	_ =	shalt  }
0x82: {  	_ =	shalt  }
0x83: {  	_ =	shalt  }
0x84: {  	_ =	shalt  }
0x85: {  	_ =	shalt  }
0x86: {  	_ =	shalt  }
0x87: {  	_ =	shalt  }
.Lfunc_end0:
.L_simem_size_0:
called_computation.1_lowered:
.L_overlay_start_0:
0x88: {  	s2 =	sld [smem:$0x3FD9]  }
0x89: {  	s3 =	sld [smem:$0x3FFE];
	_ =	sdelay $0x1  }
0x8a: {  	s1 =	srdreg.scid  }
0x8b: {  	s0 =	sand.u32 $0x1, s1  }
0x8c: {  	s16 =	sshll.u32 s0, $0xA;
	s2 =	sadd.s32 s3, s2  }
0x8d: {  	s2 =	sadd.s32 s2, s16  }
0x8e: {  	[smem:$0x3FC0] =	sst s2  }
0x8f: {  	_ = 	snop  }
0x90: {  	(tm) =	ssettm $0x1  }
0x91: {  	s17 =	sld [smem:$0x3FFB];
	_ =	sdelay $0x3  }
0x92: {  	_ =	strace s17  }
0x93: {  	s2 =	sld [smem:$0x3FFC];
	_ =	sdelay $0x3  }
0x94: {  	_ =	strace s2  }
0x95: {  	s2 =	sld [smem:$0x3FFD];
	_ =	sdelay $0x3  }
0x96: {  	_ =	strace s2  }
0x97: {  	_ =	strace $0x8FFFFFFF  }
0x98: {  	s18 =	sld [smem:$0x3FDB];
	_ =	sdelay $0x1  }
0x99: {  	s19 =	simm.s32 $_scs_section_size  }
0x9a: {  	s4 =	simm.s32 $_size__tile_overlayer_lowered;
	s5 =	simm.s32 $_tile_overlayer_lowered  }
0x9b: {  	s22 =	simm.s32 $0x1BFF;
	s21 =	sshll.u32 s5, $0x1;
	s2 =	sadd.s32 s19, s18  }
0x9c: {  	s6 =	simm.s32 $0x0;
	s20 =	sshll.u32 s4, $0x1;
	s4 =	sadd.s32 s21, s2  }
0x9d: {  	[timem:s6], [sflag:s22] =	dma.local [hbm:s4], s20  }
0x9e: {  	_ =	swait.ge [sflag:s22], s20  }
0x9f: {  	s3 =	ssub.s32 $0x0, s20;
	[sflag:s22] =	ssyncset.done $0x0  }
0xa0: {  	[sflag:s22] =	ssyncadd.s32 s3;
	_ =	sdelay $0x1  }
0xa1: {  	s23 =	simm.s32 $0x1B8B  }
0xa2: {  	_ =	swait.ge [sflag:s23], $0x1  }
0xa3: {  	[sflag:s23] =	ssyncset.done $0x0  }
0xa4: {  	s25 =	simm.s32 $0x1B8E;
	s24 =	sld [smem:$0x3FFE];
	[sflag:s23] =	ssyncadd.s32 $0xFFFFFFFF  }
0xa5: {  	s26 =	simm.s32 $execute0_lowered;
	[smem:$0x3FD2] =	sst s25  }
0xa6: {  	s4 =	sshll.u32 s26, $0x1;
	_ =	strace $0x80000049;
	[dreg:$0x1] =	wrdreg $0xFFFFFFFF  }
0xa7: {  	s28 =	simm.s32 $_size_execute0_lowered;
	s2 =	sadd.s32 s2, s4;
	[dreg:$0x0] =	wrdreg $0x0  }
0xa8: {  	s4 =	sshll.u32 s28, $0x1;
	[dreg:$0x2] =	wrdreg s2  }
0xa9: {  	[dreg:$0x3] =	wrdreg s4  }
0xaa: {  	[dreg:$0x4] =	wrdreg $0xC0  }
0xab: {  	_ =	task [dreg:s6], $0x5FFFF  }
0xac: {  	[dreg:$0x1] =	wrdreg $0xFFFFFFFF  }
0xad: {  	[dreg:$0x0] =	wrdreg $0x60  }
0xae: {  	[dreg:$0x2] =	wrdreg s24  }
0xaf: {  	[dreg:$0x3] =	wrdreg $0x90000  }
0xb0: {  	[dreg:$0x4] =	wrdreg $0x9  }
0xb1: {  	_ =	task.clear_ibuf [dreg:s6], $0x5FFFF;
	_ =	strace $0x90000049  }
0xb2: {  	s29 =	simm.s32 $0x9;
	_ =	strace $0x8000004B  }
0xb3: {  	_ =	swait.ge [sflag:s29], $0x1  }
0xb4: {  	[sflag:s29] =	ssyncadd.s32 $0xFFFFFFFF  }
0xb5: {  	_ =	strace $0x9000004B  }
0xb6: {  	_ =	sfence  }
0xb7: {  	s30 =	sld [smem:$0x0];
	_ =	sdelay $0x2  }
0xb8: {  	s31 =	sshll.u32 s1, $0xD;
	s1 =	sshrl.u32 s1, $0x2  }
0xb9: {  	s3 =	sand.u32 $0x4000, s31;
	s1 =	sadd.s32 s1, s30  }
0xba: {  	s0 =	sor.u32 s3, s0;
	s1 =	sshll.u32 s1, $0x11  }
0xbb: {  	s0 =	sor.u32 s1, s0  }
0xbc: {  	s0 =	sadd.s32 $0x8F2B, s0  }
0xbd: {  	[sflag:s0] =	ssyncadd.remote.s32 $0x1  }
0xbe: {  	_ =	sfence.sel $0xFFFF  }
0xbf: {  	[dreg:$0x0] =	wrdreg $0xFFFFFFFF;
	(pc) =	sbr.abs _section_cstart, $3  }
0xc0: {  	[dreg:$0x1] =	wrdreg $0xFFFFFFFF  }
0xc1: {  	_ =	task.clear_ibuf [dreg:s6], $0x2FFFF;
	_ =	strace $0x9FFFFFFF  }
0xc2: {  	(tm) =	ssettm $0x7FFFFFFF  }
0xc3: {  	_ =	shalt  }
tec
execute0_lowered:
.L_overlay_start_1:
0x0: {  	(tag) =	ssettag $0x1  }
0x1: {  	s0 =	srdreg.scid;
	s6 =	rddreg [dreg:$0x0]  }
0x2: {  	s2 =	rddreg [dreg:$0x1];
	s3 =	simm.s32 $0x0;
	s14 =	simm.s32 $0x5000  }
0x3: {  	s15 =	simm.s32 $0x2;
	s16 =	simm.s32 $0x2800;
	s5 =	sand.u32 $0x1, s0  }
0x4: {  	s17 =	simm.s32 $0x80;
	s0 =	stileid.u32;
	s8 =	smul.u32 $0x13C000, s5  }
0x5: {  	s18 =	simm.s32 $0x1;
	[smem:$0x7FF] =	sst s3;
	s9 =	smul.u32 $0x13C00, s0  }
0x6: {  	s4 =	sadd.s32 $0x17000, s6;
	s1 =	sshll.u32 s5, $0x4;
	s10 =	smul.u32 $0x4F000, s0  }
0x7: {  	s29 =	ssub.s32 $0x2, s5;
	s19 =	sshll.u32 s0, $0x6;
	s1 =	sor.u32 s0, s1  }
0x8: {  	s31 =	sshrl.u32 s29, $0x1;
	s19 =	sor.u32 $0x1C02, s19;
	s7 =	smul.u32 $0x500, s1  }
0x9: {  	s1 =	rddreg [dreg:$0x2];
	_ =	strace $0x8000004A;
	s30 =	sshrl.u32 s10, $0x2  }
0xa: {  	s28 =	sadd.s32 s9, s8;
	s13 =	ssub.s32 s29, s31;
	s5 =	sadd.s32 s30, s2  }
0xb: {  	s13 =	smax.u32 s13, $0x1;
	s11 =	sadd.s32 s7, s6;
	s7 =	sshrl.u32 s28, $0x3  }
0xc: {  	s8 =	sadd.s32 $0xC000, s5;
	s9 =	sadd.s32 $0xFC00, s5;
	s20 =	sshrl.u32 s5, $0x3  }
0xd: {  	s12 =	sadd.s32 s7, s6;
	s6 =	sadd.s32 $0x4000, s5;
	s7 =	sadd.s32 $0x8000, s5  }
0xe: {  	v0 =	vimm.f32 $0.0e+00;
	s10 =	sadd.s32 $0xD000, s11;
	s11 =	sadd.s32 $0x2600, s11;
	s12 =	sadd.s32 $0x3E200, s12  }
.LBB2_1:
0xf: {  	s21 =	simm.s32 $0x0;
	s22 =	simm.s32 $0x200  }
.LBB2_2:
0x10: {  	p0 =	sne.s32 s22, $0xFE00;
	[tilespmem:s21+$0x5070] =	vst v0  }
0x11: {  	[tilespmem:s21+$0x5000] =	vst v0  }
0x12: {  	[tilespmem:s21+$0x5010] =	vst v0  }
.Ltmp0:
0x13: {  	[tilespmem:s21+$0x5020] =	vst v0;
	(pc) =	sbr.rel @p0 .LBB2_2-.Ltmp0, $4  }
0x14: {  	[tilespmem:s21+$0x5030] =	vst v0  }
0x15: {  	[tilespmem:s21+$0x5040] =	vst v0  }
0x16: {  	[tilespmem:s21+$0x5050] =	vst v0  }
0x17: {  	[tilespmem:s21+$0x5060] =	vst v0;
	s21 =	sshra.s32 s22, $0x2;
	s22 =	sadd.s32 $0x200, s22  }
0x18: {  	[tilespmem:s21+$0x5070] =	vst v0  }
0x19: {  	[tilespmem:s21+$0x5000] =	vst v0  }
0x1a: {  	[tilespmem:s21+$0x5010] =	vst v0  }
0x1b: {  	[tilespmem:s21+$0x5020] =	vst v0  }
0x1c: {  	[tilespmem:s21+$0x5030] =	vst v0  }
0x1d: {  	[tilespmem:s21+$0x5040] =	vst v0  }
0x1e: {  	[tilespmem:s21+$0x5050] =	vst v0  }
0x1f: {  	[tilespmem:s21+$0x5060] =	vst v0  }
0x20: {  	[spmem:s5] =	stream.linear.scatter [tilespmem:s14], [sflag:$0x2], $0x4000, $0x38;
	[tilespmem:$0x1CC00] =	vst v63  }
0x21: {  	_ =	swait.ge [sflag:s15], $0x4000  }
0x22: {  	[sflag:s15] =	ssyncset.done $0x0  }
0x23: {  	[sflag:s15] =	ssyncadd.s32 $0xFFFFC000  }
0x24: {  	[spmem:s6] =	stream.linear.scatter [tilespmem:s14], [sflag:$0x2], $0x4000, $0x38;
	[tilespmem:$0x1CC00] =	vst v63  }
0x25: {  	_ =	swait.ge [sflag:s15], $0x4000  }
0x26: {  	[sflag:s15] =	ssyncset.done $0x0  }
0x27: {  	[sflag:s15] =	ssyncadd.s32 $0xFFFFC000  }
0x28: {  	[spmem:s7] =	stream.linear.scatter [tilespmem:s14], [sflag:$0x2], $0x4000, $0x38;
	[tilespmem:$0x1CC00] =	vst v63  }
0x29: {  	_ =	swait.ge [sflag:s15], $0x4000  }
0x2a: {  	[sflag:s15] =	ssyncset.done $0x0  }
0x2b: {  	[sflag:s15] =	ssyncadd.s32 $0xFFFFC000  }
0x2c: {  	[spmem:s8] =	stream.linear.scatter [tilespmem:s14], [sflag:$0x2], $0x4000, $0x38;
	[tilespmem:$0x1CC00] =	vst v63  }
0x2d: {  	_ =	swait.ge [sflag:s15], $0x4000  }
0x2e: {  	[sflag:s15] =	ssyncset.done $0x0  }
0x2f: {  	[sflag:s15] =	ssyncadd.s32 $0xFFFFC000  }
0x30: {  	[spmem:s9] =	stream.linear.scatter [tilespmem:s14], [sflag:$0x2], $0x4000, $0x38;
	[tilespmem:$0x1CC00] =	vst v63  }
0x31: {  	_ =	swait.ge [sflag:s15], $0x4000  }
0x32: {  	[sflag:s15] =	ssyncset.done $0x0  }
0x33: {  	[sflag:s15] =	ssyncadd.s32 $0xFFFFC000  }
0x34: {  	s29 =	simm.s32 $0x0;
	[bflag:$0x0] =	sbarrier.arrive $0xFFFF  }
0x35: {  	[tilespmem:s29], [sflag:$0x2] =	stream.linear.gather [hbm4b:s10+s29], $0x2780, $0x38;
	[tilespmem:$0x1CC00] =	vst v63  }
0x36: {  	_ =	swait.ge [sflag:s15], $0x2780  }
0x37: {  	[sflag:s15] =	ssyncset.done $0x0  }
0x38: {  	[sflag:s15] =	ssyncadd.s32 $0xFFFFD880  }
0x39: {  	[tilespmem:s16], [sflag:$0x2] =	stream.linear.gather [hbm4b:s11+s29], $0x2780, $0x38;
	[tilespmem:$0x1CC00] =	vst v63  }
0x3a: {  	_ =	swait.ge [sflag:s15], $0x2780  }
0x3b: {  	[sflag:s15] =	ssyncset.done $0x0  }
0x3c: {  	s30 =	simm.s32 $0x0;
	[sflag:s15] =	ssyncadd.s32 $0xFFFFD880  }
0x3d: {  	[tilespmem:s14], [sflag:$0x1] =	stream.indirect.gather [hbm4b:s4+s17], $0x80, s30, s17, $0xb8;
	[tilespmem:$0x1CC00] =	vst v63  }
0x3e: {  	_ =	swait.ge [sflag:s18], $0x4000  }
0x3f: {  	[sflag:s18] =	ssyncset.done $0x0  }
0x40: {  	s31 =	simm.s32 $0x2800;
	[sflag:s18] =	ssyncadd.s32 $0xFFFFC000  }
0x41: {  	[spmem:s2] =	stream.indirect.scatter.add.f32 [tilespmem:s14], [sflag:$0x2], $0x80, s31, s17, $0xb8;
	[tilespmem:$0x1CC00] =	vst v63  }
0x42: {  	_ =	swait.ge [sflag:s15], $0x4000  }
0x43: {  	s21 =	simm.s32 $0x200;
	s22 =	simm.s32 $0x400;
	[sflag:s15] =	ssyncset.done $0x0  }
.LBB2_4:
0x44: {  	s23 =	sshra.s32 s21, $0x2  }
0x45: {  	[sflag:s15] =	ssyncadd.s32 $0xFFFFC000;
	s21 =	smov.u32 s22;
	s24 =	sadd.s32 $0x200, s22  }
0x46: {  	[tilespmem:s14], [sflag:$0x1] =	stream.indirect.gather [hbm4b:s4+s17], $0x80, s23, s17, $0xb8;
	[tilespmem:$0x1CC00] =	vst v63  }
0x47: {  	p0 =	sne.s32 s22, $0x9C00;
	_ =	swait.ge [sflag:s18], $0x4000  }
.Ltmp1:
0x48: {  	[sflag:s18] =	ssyncset.done $0x0;
	(pc) =	sbr.rel @p0 .LBB2_4-.Ltmp1, $4  }
0x49: {  	s22 =	sadd.s32 $0x2800, s23;
	[sflag:s18] =	ssyncadd.s32 $0xFFFFC000  }
0x4a: {  	[spmem:s2] =	stream.indirect.scatter.add.f32 [tilespmem:s14], [sflag:$0x2], $0x80, s22, s17, $0xb8;
	[tilespmem:$0x1CC00] =	vst v63  }
0x4b: {  	_ =	swait.ge [sflag:s15], $0x4000  }
0x4c: {  	s22 =	smov.u32 s24;
	[sflag:s15] =	ssyncset.done $0x0  }
0x4d: {  	s21 =	sshra.s32 s21, $0x2;
	[sflag:s15] =	ssyncadd.s32 $0xFFFFC000  }
0x4e: {  	[tilespmem:s14], [sflag:$0x1] =	stream.indirect.gather [hbm4b:s4+s17], $0x80, s21, s17, $0xb8;
	[tilespmem:$0x1CC00] =	vst v63  }
0x4f: {  	_ =	swait.ge [sflag:s18], $0x4000  }
0x50: {  	[sflag:s18] =	ssyncset.done $0x0  }
0x51: {  	s21 =	sadd.s32 $0x2800, s21;
	[sflag:s18] =	ssyncadd.s32 $0xFFFFC000  }
0x52: {  	[spmem:s2] =	stream.indirect.scatter.add.f32 [tilespmem:s14], [sflag:$0x2], $0x80, s21, s17, $0xb8;
	[tilespmem:$0x1CC00] =	vst v63  }
0x53: {  	_ =	swait.ge [sflag:s15], $0x4000  }
0x54: {  	s3 =	sadd.s32 $0x1, s3;
	[sflag:s15] =	ssyncset.done $0x0  }
0x55: {  	p0 =	sne.s32 s3, s13;
	[sflag:s15] =	ssyncadd.s32 $0xFFFFC000  }
.Ltmp2:
0x56: {  	[bflag:$0x0] =	sbarrier.arrive $0xFFFF;
	(pc) =	sbr.rel @p0 .LBB2_1-.Ltmp2, $4  }
0x57: {  	[hbm:s12], [sflag:s19] =	dma.local [spmem:s20], $0x2780  }
0x58: {  	_ =	swait.ge [sflag:s15], $0x2780  }
0x59: {  	[sflag:s15] =	ssyncset.done $0x0  }
0x5a: {  	[sflag:s15] =	ssyncadd.s32 $0xFFFFD880  }
0x5b: {  	_ =	sfence.sel $0x180000  }
0x5c: {  	[bflag:$0x0] =	sbarrier.arrive $0xFFFF  }
0x5d: {  	p0 =	sne.s32 s0, $0x0;
	_ =	strace $0x9000004A  }
0x5e: {  	s0 =	sadd.s32 @!p0 $0x100000, s1;
	[bflag:$0x2] =	sbarrier.arrive $0xFFFF  }
0x5f: {  	[sflag:s0] =	ssyncadd.tile.s32 @!p0 $0x1;
	_ =	shalt  }
.Lfunc_end2:
_tile_overlayer_lowered:
.L_overlay_start_2:
0x60: {  	(tag) =	ssettag $0x2  }
0x61: {  	s0 =	rddreg [dreg:$0x0];
	s2 =	stileid.u32  }
0x62: {  	s1 =	rddreg [dreg:$0x1];
	p0 =	sne.s32 s2, $0x0  }
0x63: {  	s3 =	rddreg [dreg:$0x2];
	[bflag:$0x3] =	sbarrier.arrive $0xFFFF;
	s2 =	simm.s32 @!p0 $0x1C02  }
0x64: {  	[timem:s3], [sflag:s2] =	dma.local @!p0 [hbm:s0], s1  }
0x65: {  	s0 =	simm.s32 @!p0 $0x2  }
0x66: {  	_ =	swait.ge @!p0 [sflag:s0], s1  }
0x67: {  	s1 =	ssub.s32 @!p0 $0x0, s1;
	[sflag:s0] =	ssyncset.done @!p0 $0x0  }
0x68: {  	[sflag:s0] =	ssyncadd.s32 @!p0 s1  }
0x69: {  	[bflag:$0x3] =	sbarrier.arrive $0xFFFF  }
0x6a: {  	_ =	shalt  }

// kernel: kernel.15.cloned.1.call-start
scs
__scs_entry_jumppad:
0x0: {  	(pc) =	sbr.rel $0x88, $3  }
0x1: {  	(tag) =	ssettag $0x0;
	lr =	simm.s32 $0x1  }
0x2: {  	[smem:$0x3F99] =	sst lr;
	_ =	strace $0xD0000000  }
0x3: {  	_ = 	snop  }
0x4: {  	_ = 	snop  }
0x5: {  	_ = 	snop  }
0x6: {  	_ = 	snop  }
0x7: {  	_ = 	snop  }
__scs_overlays_trampoline_lowered:
0x8: {  	[smem:$0x3FA8] =	sst s0  }
0x9: {  	[smem:$0x3FA9] =	sst s1  }
0xa: {  	[smem:$0x3FAA] =	sst s2  }
0xb: {  	[smem:$0x3FAB] =	sst s3  }
0xc: {  	[smem:$0x3FAC] =	sst s4  }
0xd: {  	[smem:$0x3FAD] =	sst s5  }
0xe: {  	[smem:$0x3FAE] =	sst s6  }
0xf: {  	[smem:$0x3FAF] =	sst s7  }
0x10: {  	[smem:$0x3FB0] =	sst s8  }
0x11: {  	[smem:$0x3FB1] =	sst s9;
	s0 =	simm.s32 @!p0 $0x0  }
0x12: {  	s1 =	sld [smem:$0x3F97];
	s0 =	simm.s32 @p0 $0x1  }
0x13: {  	[smem:$0x3FB2] =	sst s0;
	s0 =	simm.s32 @!p1 $0x0  }
0x14: {  	s2 =	sld [smem:$0x3F96];
	s0 =	simm.s32 @p1 $0x1  }
0x15: {  	[smem:$0x3FB3] =	sst s0;
	s0 =	simm.s32 @!p2 $0x0  }
0x16: {  	s3 =	sld [smem:$0x3FDB];
	s0 =	simm.s32 @p2 $0x1  }
0x17: {  	s4 =	simm.s32 $0x1BF5;
	[smem:$0x3FB5] =	sst s0  }
0x18: {  	s0 =	sld [smem:$0x3F98];
	_ =	swait.ge [sflag:s4], $0x0  }
0x19: {  	s7 =	sld [smem:$0x3F99]  }
0x1a: {  	s8 =	sadd.s32 $0xFFFFE003, lr  }
0x1b: {  	s9 =	sadd.s32 $0xFFFFFEF7, lr;
	s5 =	simm.s32 $0xFFFFFFFF;
	p2 =	slt.u32 s8, $0xFFFFF086  }
0x1c: {  	p1 =	slt.u32 s9, $0xF7A;
	s5 =	simm.s32 @!p2 $0x0  }
0x1d: {  	s5 =	simm.s32 @p1 $0x1;
	p0 =	seq.s32 s7, s2  }
0x1e: {  	s7 =	smul.u32 @!p0 $0xF7A, s2;
	p2 =	seq.s32 @!p0 s5, $0x0  }
0x1f: {  	s9 =	smul.u32 $0xF7A, s1;
	s8 =	simm.s32 @!p0 $0x1BF5;
	p2 =	por !p2, p0  }
0x20: {  	[sflag:s8] =	ssyncset.s32 @!p0 $0xFFFFF086;
	s6 =	sadd.s32 @!p0 s3, s7;
	s7 =	simm.s32 @!p0 $0x108  }
0x21: {  	s3 =	sadd.s32 s3, s9;
	s6 =	sadd.s32 @!p0 $0x88, s6;
	s7 =	simm.s32 @p2 $0x1082  }
0x22: {  	[simem:s7], [sflag:s8] =	dma.local @!p0 [hbm:s6], $0xF7A  }
0x23: {  	s9 =	sor.u32 $0xD0000000, s2;
	s6 =	simm.s32 $0x108;
	_ =	swait.ge @!p0 [sflag:s8], $0x0  }
0x24: {  	s3 =	sadd.s32 $0x88, s3;
	s6 =	simm.s32 @!p1 $0x1082;
	[sflag:s4] =	ssyncset.s32 $0xFFFFF086  }
0x25: {  	[simem:s6], [sflag:s4] =	dma.local [hbm:s3], $0xF7A  }
0x26: {  	[smem:$0x3F99] =	sst s1;
	(tag) =	ssettag s2;
	_ =	strace s9  }
0x27: {  	s1 =	sld [smem:$0x3FA9]  }
0x28: {  	s2 =	sld [smem:$0x3FAA]  }
0x29: {  	s4 =	sld [smem:$0x3FAC]  }
0x2a: {  	p0 =	seq.s32 s5, $0x0;
	s5 =	sld [smem:$0x3FAD]  }
0x2b: {  	s6 =	sld [smem:$0x3FAE]  }
0x2c: {  	s7 =	sld [smem:$0x3FAF]  }
0x2d: {  	s3 =	simm.s32 $0x108;
	s8 =	sld [smem:$0x3FB0]  }
0x2e: {  	s3 =	simm.s32 @!p0 $0x1082;
	s9 =	sld [smem:$0x3FB1]  }
0x2f: {  	lr =	sadd.s32 s0, s3;
	s0 =	sld [smem:$0x3FA8]  }
0x30: {  	s3 =	sld [smem:$0x3FAB]  }
0x31: {  	[smem:$0x3FB4] =	sst s10  }
0x32: {  	s10 =	sld [smem:$0x3FB2];
	_ =	sdelay $0x3  }
0x33: {  	p0 =	seq.s32 s10, $0x1;
	s10 =	sld [smem:$0x3FB4];
	_ =	sdelay $0x3  }
0x34: {  	[smem:$0x3FB4] =	sst s10  }
0x35: {  	s10 =	sld [smem:$0x3FB3];
	_ =	sdelay $0x3  }
0x36: {  	p1 =	seq.s32 s10, $0x1;
	s10 =	sld [smem:$0x3FB4];
	_ =	sdelay $0x3  }
0x37: {  	[smem:$0x3FB4] =	sst s10  }
0x38: {  	s10 =	sld [smem:$0x3FB5]  }
0x39: {  	_ = 	snop;
	(pc) =	sbr.ind lr, $3  }
0x3a: {  	_ = 	snop  }
0x3b: {  	_ = 	snop  }
0x3c: {  	p2 =	seq.s32 s10, $0x1;
	s10 =	sld [smem:$0x3FB4]  }
0x3d: {  	_ =	shalt  }
0x3e: {  	_ =	shalt  }
0x3f: {  	_ =	shalt  }
0x40: {  	_ =	shalt  }
0x41: {  	_ =	shalt  }
0x42: {  	_ =	shalt  }
0x43: {  	_ =	shalt  }
0x44: {  	_ =	shalt  }
0x45: {  	_ =	shalt  }
0x46: {  	_ =	shalt  }
0x47: {  	_ =	shalt  }
0x48: {  	_ =	shalt  }
0x49: {  	_ =	shalt  }
0x4a: {  	_ =	shalt  }
0x4b: {  	_ =	shalt  }
0x4c: {  	_ =	shalt  }
0x4d: {  	_ =	shalt  }
0x4e: {  	_ =	shalt  }
0x4f: {  	_ =	shalt  }
0x50: {  	_ =	shalt  }
0x51: {  	_ =	shalt  }
0x52: {  	_ =	shalt  }
0x53: {  	_ =	shalt  }
0x54: {  	_ =	shalt  }
0x55: {  	_ =	shalt  }
0x56: {  	_ =	shalt  }
0x57: {  	_ =	shalt  }
0x58: {  	_ =	shalt  }
0x59: {  	_ =	shalt  }
0x5a: {  	_ =	shalt  }
0x5b: {  	_ =	shalt  }
0x5c: {  	_ =	shalt  }
0x5d: {  	_ =	shalt  }
0x5e: {  	_ =	shalt  }
0x5f: {  	_ =	shalt  }
0x60: {  	_ =	shalt  }
0x61: {  	_ =	shalt  }
0x62: {  	_ =	shalt  }
0x63: {  	_ =	shalt  }
0x64: {  	_ =	shalt  }
0x65: {  	_ =	shalt  }
0x66: {  	_ =	shalt  }
0x67: {  	_ =	shalt  }
0x68: {  	_ =	shalt  }
0x69: {  	_ =	shalt  }
0x6a: {  	_ =	shalt  }
0x6b: {  	_ =	shalt  }
0x6c: {  	_ =	shalt  }
0x6d: {  	_ =	shalt  }
0x6e: {  	_ =	shalt  }
0x6f: {  	_ =	shalt  }
0x70: {  	_ =	shalt  }
0x71: {  	_ =	shalt  }
0x72: {  	_ =	shalt  }
0x73: {  	_ =	shalt  }
0x74: {  	_ =	shalt  }
0x75: {  	_ =	shalt  }
0x76: {  	_ =	shalt  }
0x77: {  	_ =	shalt  }
0x78: {  	_ =	shalt  }
0x79: {  	_ =	shalt  }
0x7a: {  	_ =	shalt  }
0x7b: {  	_ =	shalt  }
0x7c: {  	_ =	shalt  }
0x7d: {  	_ =	shalt  }
0x7e: {  	_ =	shalt  }
0x7f: {  	_ =	shalt  }
0x80: {  	_ =	shalt  }
0x81: {  	_ =	shalt  }
0x82: {  	_ =	shalt  }
0x83: {  	_ =	shalt  }
0x84: {  	_ =	shalt  }
0x85: {  	_ =	shalt  }
0x86: {  	_ =	shalt  }
0x87: {  	_ =	shalt  }
.Lfunc_end0:
.L_simem_size_0:
called_computation.2_lowered:
.L_overlay_start_0:
0x88: {  	s2 =	sld [smem:$0x3FD9]  }
0x89: {  	s3 =	sld [smem:$0x3FFE];
	_ =	sdelay $0x1  }
0x8a: {  	s1 =	srdreg.scid  }
0x8b: {  	s0 =	sand.u32 $0x1, s1  }
0x8c: {  	s16 =	sshll.u32 s0, $0xA;
	s2 =	sadd.s32 s3, s2  }
0x8d: {  	s2 =	sadd.s32 s2, s16  }
0x8e: {  	[smem:$0x3FC0] =	sst s2  }
0x8f: {  	_ = 	snop  }
0x90: {  	(tm) =	ssettm $0x1  }
0x91: {  	s17 =	sld [smem:$0x3FFB];
	_ =	sdelay $0x3  }
0x92: {  	_ =	strace s17  }
0x93: {  	s2 =	sld [smem:$0x3FFC];
	_ =	sdelay $0x3  }
0x94: {  	_ =	strace s2  }
0x95: {  	s2 =	sld [smem:$0x3FFD];
	_ =	sdelay $0x3  }
0x96: {  	_ =	strace s2  }
0x97: {  	_ =	strace $0x8FFFFFFF  }
0x98: {  	s18 =	sld [smem:$0x3FDB];
	_ =	sdelay $0x1  }
0x99: {  	s19 =	simm.s32 $_scs_section_size  }
0x9a: {  	s4 =	simm.s32 $_size__tile_overlayer_lowered;
	s5 =	simm.s32 $_tile_overlayer_lowered  }
0x9b: {  	s22 =	simm.s32 $0x1BFF;
	s21 =	sshll.u32 s5, $0x1;
	s2 =	sadd.s32 s19, s18  }
0x9c: {  	s6 =	simm.s32 $0x0;
	s20 =	sshll.u32 s4, $0x1;
	s4 =	sadd.s32 s21, s2  }
0x9d: {  	[timem:s6], [sflag:s22] =	dma.local [hbm:s4], s20  }
0x9e: {  	_ =	swait.ge [sflag:s22], s20  }
0x9f: {  	s3 =	ssub.s32 $0x0, s20;
	[sflag:s22] =	ssyncset.done $0x0  }
0xa0: {  	[sflag:s22] =	ssyncadd.s32 s3;
	_ =	sdelay $0x1  }
0xa1: {  	s23 =	simm.s32 $0x1B8B  }
0xa2: {  	_ =	swait.ge [sflag:s23], $0x1  }
0xa3: {  	[sflag:s23] =	ssyncset.done $0x0  }
0xa4: {  	s25 =	simm.s32 $0x1B8E;
	s24 =	sld [smem:$0x3FFE];
	[sflag:s23] =	ssyncadd.s32 $0xFFFFFFFF  }
0xa5: {  	s26 =	simm.s32 $execute0_lowered;
	[smem:$0x3FD2] =	sst s25  }
0xa6: {  	s4 =	sshll.u32 s26, $0x1;
	_ =	strace $0x8000004C;
	[dreg:$0x1] =	wrdreg $0xFFFFFFFF  }
0xa7: {  	s28 =	simm.s32 $_size_execute0_lowered;
	s2 =	sadd.s32 s2, s4;
	[dreg:$0x0] =	wrdreg $0x0  }
0xa8: {  	s4 =	sshll.u32 s28, $0x1;
	[dreg:$0x2] =	wrdreg s2  }
0xa9: {  	[dreg:$0x3] =	wrdreg s4  }
0xaa: {  	[dreg:$0x4] =	wrdreg $0xC0  }
0xab: {  	_ =	task [dreg:s6], $0x5FFFF  }
0xac: {  	[dreg:$0x1] =	wrdreg $0xFFFFFFFF  }
0xad: {  	[dreg:$0x0] =	wrdreg $0x60  }
0xae: {  	[dreg:$0x2] =	wrdreg s24  }
0xaf: {  	[dreg:$0x3] =	wrdreg $0x90000  }
0xb0: {  	[dreg:$0x4] =	wrdreg $0x9  }
0xb1: {  	_ =	task.clear_ibuf [dreg:s6], $0x5FFFF;
	_ =	strace $0x9000004C  }
0xb2: {  	s29 =	simm.s32 $0x9;
	_ =	strace $0x8000004E  }
0xb3: {  	_ =	swait.ge [sflag:s29], $0x1  }
0xb4: {  	[sflag:s29] =	ssyncadd.s32 $0xFFFFFFFF  }
0xb5: {  	_ =	strace $0x9000004E  }
0xb6: {  	_ =	sfence  }
0xb7: {  	s30 =	sld [smem:$0x0];
	_ =	sdelay $0x2  }
0xb8: {  	s31 =	sshll.u32 s1, $0xD;
	s1 =	sshrl.u32 s1, $0x2  }
0xb9: {  	s3 =	sand.u32 $0x4000, s31;
	s1 =	sadd.s32 s1, s30  }
0xba: {  	s0 =	sor.u32 s3, s0;
	s1 =	sshll.u32 s1, $0x11  }
0xbb: {  	s0 =	sor.u32 s1, s0  }
0xbc: {  	s0 =	sadd.s32 $0x8F2B, s0  }
0xbd: {  	[sflag:s0] =	ssyncadd.remote.s32 $0x1  }
0xbe: {  	_ =	sfence.sel $0xFFFF  }
0xbf: {  	[dreg:$0x0] =	wrdreg $0xFFFFFFFF;
	(pc) =	sbr.abs _section_cstart, $3  }
0xc0: {  	[dreg:$0x1] =	wrdreg $0xFFFFFFFF  }
0xc1: {  	_ =	task.clear_ibuf [dreg:s6], $0x2FFFF;
	_ =	strace $0x9FFFFFFF  }
0xc2: {  	(tm) =	ssettm $0x7FFFFFFF  }
0xc3: {  	_ =	shalt  }
tec
execute0_lowered:
.L_overlay_start_1:
0x0: {  	(tag) =	ssettag $0x1  }
0x1: {  	s0 =	srdreg.scid;
	s6 =	rddreg [dreg:$0x0]  }
0x2: {  	s2 =	rddreg [dreg:$0x1];
	s3 =	simm.s32 $0x0;
	s14 =	simm.s32 $0x5000  }
0x3: {  	s15 =	simm.s32 $0x2;
	s16 =	simm.s32 $0x2800;
	s5 =	sand.u32 $0x1, s0  }
0x4: {  	s17 =	simm.s32 $0x80;
	s0 =	stileid.u32;
	s8 =	smul.u32 $0x13C000, s5  }
0x5: {  	s18 =	simm.s32 $0x1;
	[smem:$0x7FF] =	sst s3;
	s9 =	smul.u32 $0x13C00, s0  }
0x6: {  	s4 =	sadd.s32 $0x17000, s6;
	s1 =	sshll.u32 s5, $0x4;
	s10 =	smul.u32 $0x4F000, s0  }
0x7: {  	s29 =	ssub.s32 $0x2, s5;
	s19 =	sshll.u32 s0, $0x6;
	s1 =	sor.u32 s0, s1  }
0x8: {  	s31 =	sshrl.u32 s29, $0x1;
	s19 =	sor.u32 $0x1C02, s19;
	s7 =	smul.u32 $0x500, s1  }
0x9: {  	s1 =	rddreg [dreg:$0x2];
	_ =	strace $0x8000004D;
	s30 =	sshrl.u32 s10, $0x2  }
0xa: {  	s28 =	sadd.s32 s9, s8;
	s13 =	ssub.s32 s29, s31;
	s5 =	sadd.s32 s30, s2  }
0xb: {  	s13 =	smax.u32 s13, $0x1;
	s11 =	sadd.s32 s7, s6;
	s7 =	sshrl.u32 s28, $0x3  }
0xc: {  	s8 =	sadd.s32 $0xC000, s5;
	s9 =	sadd.s32 $0xFC00, s5;
	s20 =	sshrl.u32 s5, $0x3  }
0xd: {  	s12 =	sadd.s32 s7, s6;
	s6 =	sadd.s32 $0x4000, s5;
	s7 =	sadd.s32 $0x8000, s5  }
0xe: {  	v0 =	vimm.f32 $0.0e+00;
	s10 =	sadd.s32 $0xD000, s11;
	s11 =	sadd.s32 $0x2600, s11;
	s12 =	sadd.s32 $0x3E200, s12  }
.LBB2_1:
0xf: {  	s21 =	simm.s32 $0x0;
	s22 =	simm.s32 $0x200  }
.LBB2_2:
0x10: {  	p0 =	sne.s32 s22, $0xFE00;
	[tilespmem:s21+$0x5070] =	vst v0  }
0x11: {  	[tilespmem:s21+$0x5000] =	vst v0  }
0x12: {  	[tilespmem:s21+$0x5010] =	vst v0  }
.Ltmp0:
0x13: {  	[tilespmem:s21+$0x5020] =	vst v0;
	(pc) =	sbr.rel @p0 .LBB2_2-.Ltmp0, $4  }
0x14: {  	[tilespmem:s21+$0x5030] =	vst v0  }
0x15: {  	[tilespmem:s21+$0x5040] =	vst v0  }
0x16: {  	[tilespmem:s21+$0x5050] =	vst v0  }
0x17: {  	[tilespmem:s21+$0x5060] =	vst v0;
	s21 =	sshra.s32 s22, $0x2;
	s22 =	sadd.s32 $0x200, s22  }
0x18: {  	[tilespmem:s21+$0x5070] =	vst v0  }
0x19: {  	[tilespmem:s21+$0x5000] =	vst v0  }
0x1a: {  	[tilespmem:s21+$0x5010] =	vst v0  }
0x1b: {  	[tilespmem:s21+$0x5020] =	vst v0  }
0x1c: {  	[tilespmem:s21+$0x5030] =	vst v0  }
0x1d: {  	[tilespmem:s21+$0x5040] =	vst v0  }
0x1e: {  	[tilespmem:s21+$0x5050] =	vst v0  }
0x1f: {  	[tilespmem:s21+$0x5060] =	vst v0  }
0x20: {  	[spmem:s5] =	stream.linear.scatter [tilespmem:s14], [sflag:$0x2], $0x4000, $0x38;
	[tilespmem:$0x1CC00] =	vst v63  }
0x21: {  	_ =	swait.ge [sflag:s15], $0x4000  }
0x22: {  	[sflag:s15] =	ssyncset.done $0x0  }
0x23: {  	[sflag:s15] =	ssyncadd.s32 $0xFFFFC000  }
0x24: {  	[spmem:s6] =	stream.linear.scatter [tilespmem:s14], [sflag:$0x2], $0x4000, $0x38;
	[tilespmem:$0x1CC00] =	vst v63  }
0x25: {  	_ =	swait.ge [sflag:s15], $0x4000  }
0x26: {  	[sflag:s15] =	ssyncset.done $0x0  }
0x27: {  	[sflag:s15] =	ssyncadd.s32 $0xFFFFC000  }
0x28: {  	[spmem:s7] =	stream.linear.scatter [tilespmem:s14], [sflag:$0x2], $0x4000, $0x38;
	[tilespmem:$0x1CC00] =	vst v63  }
0x29: {  	_ =	swait.ge [sflag:s15], $0x4000  }
0x2a: {  	[sflag:s15] =	ssyncset.done $0x0  }
0x2b: {  	[sflag:s15] =	ssyncadd.s32 $0xFFFFC000  }
0x2c: {  	[spmem:s8] =	stream.linear.scatter [tilespmem:s14], [sflag:$0x2], $0x4000, $0x38;
	[tilespmem:$0x1CC00] =	vst v63  }
0x2d: {  	_ =	swait.ge [sflag:s15], $0x4000  }
0x2e: {  	[sflag:s15] =	ssyncset.done $0x0  }
0x2f: {  	[sflag:s15] =	ssyncadd.s32 $0xFFFFC000  }
0x30: {  	[spmem:s9] =	stream.linear.scatter [tilespmem:s14], [sflag:$0x2], $0x4000, $0x38;
	[tilespmem:$0x1CC00] =	vst v63  }
0x31: {  	_ =	swait.ge [sflag:s15], $0x4000  }
0x32: {  	[sflag:s15] =	ssyncset.done $0x0  }
0x33: {  	[sflag:s15] =	ssyncadd.s32 $0xFFFFC000  }
0x34: {  	s29 =	simm.s32 $0x0;
	[bflag:$0x0] =	sbarrier.arrive $0xFFFF  }
0x35: {  	[tilespmem:s29], [sflag:$0x2] =	stream.linear.gather [hbm4b:s10+s29], $0x2780, $0x38;
	[tilespmem:$0x1CC00] =	vst v63  }
0x36: {  	_ =	swait.ge [sflag:s15], $0x2780  }
0x37: {  	[sflag:s15] =	ssyncset.done $0x0  }
0x38: {  	[sflag:s15] =	ssyncadd.s32 $0xFFFFD880  }
0x39: {  	[tilespmem:s16], [sflag:$0x2] =	stream.linear.gather [hbm4b:s11+s29], $0x2780, $0x38;
	[tilespmem:$0x1CC00] =	vst v63  }
0x3a: {  	_ =	swait.ge [sflag:s15], $0x2780  }
0x3b: {  	[sflag:s15] =	ssyncset.done $0x0  }
0x3c: {  	s30 =	simm.s32 $0x0;
	[sflag:s15] =	ssyncadd.s32 $0xFFFFD880  }
0x3d: {  	[tilespmem:s14], [sflag:$0x1] =	stream.indirect.gather [hbm4b:s4+s17], $0x80, s30, s17, $0xb8;
	[tilespmem:$0x1CC00] =	vst v63  }
0x3e: {  	_ =	swait.ge [sflag:s18], $0x4000  }
0x3f: {  	[sflag:s18] =	ssyncset.done $0x0  }
0x40: {  	s31 =	simm.s32 $0x2800;
	[sflag:s18] =	ssyncadd.s32 $0xFFFFC000  }
0x41: {  	[spmem:s2] =	stream.indirect.scatter.add.f32 [tilespmem:s14], [sflag:$0x2], $0x80, s31, s17, $0xb8;
	[tilespmem:$0x1CC00] =	vst v63  }
0x42: {  	_ =	swait.ge [sflag:s15], $0x4000  }
0x43: {  	s21 =	simm.s32 $0x200;
	s22 =	simm.s32 $0x400;
	[sflag:s15] =	ssyncset.done $0x0  }
.LBB2_4:
0x44: {  	s23 =	sshra.s32 s21, $0x2  }
0x45: {  	[sflag:s15] =	ssyncadd.s32 $0xFFFFC000;
	s21 =	smov.u32 s22;
	s24 =	sadd.s32 $0x200, s22  }
0x46: {  	[tilespmem:s14], [sflag:$0x1] =	stream.indirect.gather [hbm4b:s4+s17], $0x80, s23, s17, $0xb8;
	[tilespmem:$0x1CC00] =	vst v63  }
0x47: {  	p0 =	sne.s32 s22, $0x9C00;
	_ =	swait.ge [sflag:s18], $0x4000  }
.Ltmp1:
0x48: {  	[sflag:s18] =	ssyncset.done $0x0;
	(pc) =	sbr.rel @p0 .LBB2_4-.Ltmp1, $4  }
0x49: {  	s22 =	sadd.s32 $0x2800, s23;
	[sflag:s18] =	ssyncadd.s32 $0xFFFFC000  }
0x4a: {  	[spmem:s2] =	stream.indirect.scatter.add.f32 [tilespmem:s14], [sflag:$0x2], $0x80, s22, s17, $0xb8;
	[tilespmem:$0x1CC00] =	vst v63  }
0x4b: {  	_ =	swait.ge [sflag:s15], $0x4000  }
0x4c: {  	s22 =	smov.u32 s24;
	[sflag:s15] =	ssyncset.done $0x0  }
0x4d: {  	s21 =	sshra.s32 s21, $0x2;
	[sflag:s15] =	ssyncadd.s32 $0xFFFFC000  }
0x4e: {  	[tilespmem:s14], [sflag:$0x1] =	stream.indirect.gather [hbm4b:s4+s17], $0x80, s21, s17, $0xb8;
	[tilespmem:$0x1CC00] =	vst v63  }
0x4f: {  	_ =	swait.ge [sflag:s18], $0x4000  }
0x50: {  	[sflag:s18] =	ssyncset.done $0x0  }
0x51: {  	s21 =	sadd.s32 $0x2800, s21;
	[sflag:s18] =	ssyncadd.s32 $0xFFFFC000  }
0x52: {  	[spmem:s2] =	stream.indirect.scatter.add.f32 [tilespmem:s14], [sflag:$0x2], $0x80, s21, s17, $0xb8;
	[tilespmem:$0x1CC00] =	vst v63  }
0x53: {  	_ =	swait.ge [sflag:s15], $0x4000  }
0x54: {  	s3 =	sadd.s32 $0x1, s3;
	[sflag:s15] =	ssyncset.done $0x0  }
0x55: {  	p0 =	sne.s32 s3, s13;
	[sflag:s15] =	ssyncadd.s32 $0xFFFFC000  }
.Ltmp2:
0x56: {  	[bflag:$0x0] =	sbarrier.arrive $0xFFFF;
	(pc) =	sbr.rel @p0 .LBB2_1-.Ltmp2, $4  }
0x57: {  	[hbm:s12], [sflag:s19] =	dma.local [spmem:s20], $0x2780  }
0x58: {  	_ =	swait.ge [sflag:s15], $0x2780  }
0x59: {  	[sflag:s15] =	ssyncset.done $0x0  }
0x5a: {  	[sflag:s15] =	ssyncadd.s32 $0xFFFFD880  }
0x5b: {  	_ =	sfence.sel $0x180000  }
0x5c: {  	[bflag:$0x0] =	sbarrier.arrive $0xFFFF  }
0x5d: {  	p0 =	sne.s32 s0, $0x0;
	_ =	strace $0x9000004D  }
0x5e: {  	s0 =	sadd.s32 @!p0 $0x100000, s1;
	[bflag:$0x2] =	sbarrier.arrive $0xFFFF  }
0x5f: {  	[sflag:s0] =	ssyncadd.tile.s32 @!p0 $0x1;
	_ =	shalt  }
.Lfunc_end2:
_tile_overlayer_lowered:
.L_overlay_start_2:
0x60: {  	(tag) =	ssettag $0x2  }
0x61: {  	s0 =	rddreg [dreg:$0x0];
	s2 =	stileid.u32  }
0x62: {  	s1 =	rddreg [dreg:$0x1];
	p0 =	sne.s32 s2, $0x0  }
0x63: {  	s3 =	rddreg [dreg:$0x2];
	[bflag:$0x3] =	sbarrier.arrive $0xFFFF;
	s2 =	simm.s32 @!p0 $0x1C02  }
0x64: {  	[timem:s3], [sflag:s2] =	dma.local @!p0 [hbm:s0], s1  }
0x65: {  	s0 =	simm.s32 @!p0 $0x2  }
0x66: {  	_ =	swait.ge @!p0 [sflag:s0], s1  }
0x67: {  	s1 =	ssub.s32 @!p0 $0x0, s1;
	[sflag:s0] =	ssyncset.done @!p0 $0x0  }
0x68: {  	[sflag:s0] =	ssyncadd.s32 @!p0 s1  }
0x69: {  	[bflag:$0x3] =	sbarrier.arrive $0xFFFF  }
0x6a: {  	_ =	shalt  }

// kernel: kernel.9.cloned.1.call-start
scs
__scs_entry_jumppad:
0x0: {  	(pc) =	sbr.rel $0x88, $3  }
0x1: {  	(tag) =	ssettag $0x0;
	lr =	simm.s32 $0x1  }
0x2: {  	[smem:$0x3F99] =	sst lr;
	_ =	strace $0xD0000000  }
0x3: {  	_ = 	snop  }
0x4: {  	_ = 	snop  }
0x5: {  	_ = 	snop  }
0x6: {  	_ = 	snop  }
0x7: {  	_ = 	snop  }
__scs_overlays_trampoline_lowered:
0x8: {  	[smem:$0x3FA8] =	sst s0  }
0x9: {  	[smem:$0x3FA9] =	sst s1  }
0xa: {  	[smem:$0x3FAA] =	sst s2  }
0xb: {  	[smem:$0x3FAB] =	sst s3  }
0xc: {  	[smem:$0x3FAC] =	sst s4  }
0xd: {  	[smem:$0x3FAD] =	sst s5  }
0xe: {  	[smem:$0x3FAE] =	sst s6  }
0xf: {  	[smem:$0x3FAF] =	sst s7  }
0x10: {  	[smem:$0x3FB0] =	sst s8  }
0x11: {  	[smem:$0x3FB1] =	sst s9;
	s0 =	simm.s32 @!p0 $0x0  }
0x12: {  	s1 =	sld [smem:$0x3F97];
	s0 =	simm.s32 @p0 $0x1  }
0x13: {  	[smem:$0x3FB2] =	sst s0;
	s0 =	simm.s32 @!p1 $0x0  }
0x14: {  	s2 =	sld [smem:$0x3F96];
	s0 =	simm.s32 @p1 $0x1  }
0x15: {  	[smem:$0x3FB3] =	sst s0;
	s0 =	simm.s32 @!p2 $0x0  }
0x16: {  	s3 =	sld [smem:$0x3FDB];
	s0 =	simm.s32 @p2 $0x1  }
0x17: {  	s4 =	simm.s32 $0x1BF5;
	[smem:$0x3FB5] =	sst s0  }
0x18: {  	s0 =	sld [smem:$0x3F98];
	_ =	swait.ge [sflag:s4], $0x0  }
0x19: {  	s7 =	sld [smem:$0x3F99]  }
0x1a: {  	s8 =	sadd.s32 $0xFFFFE003, lr  }
0x1b: {  	s9 =	sadd.s32 $0xFFFFFEF7, lr;
	s5 =	simm.s32 $0xFFFFFFFF;
	p2 =	slt.u32 s8, $0xFFFFF086  }
0x1c: {  	p1 =	slt.u32 s9, $0xF7A;
	s5 =	simm.s32 @!p2 $0x0  }
0x1d: {  	s5 =	simm.s32 @p1 $0x1;
	p0 =	seq.s32 s7, s2  }
0x1e: {  	s7 =	smul.u32 @!p0 $0xF7A, s2;
	p2 =	seq.s32 @!p0 s5, $0x0  }
0x1f: {  	s9 =	smul.u32 $0xF7A, s1;
	s8 =	simm.s32 @!p0 $0x1BF5;
	p2 =	por !p2, p0  }
0x20: {  	[sflag:s8] =	ssyncset.s32 @!p0 $0xFFFFF086;
	s6 =	sadd.s32 @!p0 s3, s7;
	s7 =	simm.s32 @!p0 $0x108  }
0x21: {  	s3 =	sadd.s32 s3, s9;
	s6 =	sadd.s32 @!p0 $0x88, s6;
	s7 =	simm.s32 @p2 $0x1082  }
0x22: {  	[simem:s7], [sflag:s8] =	dma.local @!p0 [hbm:s6], $0xF7A  }
0x23: {  	s9 =	sor.u32 $0xD0000000, s2;
	s6 =	simm.s32 $0x108;
	_ =	swait.ge @!p0 [sflag:s8], $0x0  }
0x24: {  	s3 =	sadd.s32 $0x88, s3;
	s6 =	simm.s32 @!p1 $0x1082;
	[sflag:s4] =	ssyncset.s32 $0xFFFFF086  }
0x25: {  	[simem:s6], [sflag:s4] =	dma.local [hbm:s3], $0xF7A  }
0x26: {  	[smem:$0x3F99] =	sst s1;
	(tag) =	ssettag s2;
	_ =	strace s9  }
0x27: {  	s1 =	sld [smem:$0x3FA9]  }
0x28: {  	s2 =	sld [smem:$0x3FAA]  }
0x29: {  	s4 =	sld [smem:$0x3FAC]  }
0x2a: {  	p0 =	seq.s32 s5, $0x0;
	s5 =	sld [smem:$0x3FAD]  }
0x2b: {  	s6 =	sld [smem:$0x3FAE]  }
0x2c: {  	s7 =	sld [smem:$0x3FAF]  }
0x2d: {  	s3 =	simm.s32 $0x108;
	s8 =	sld [smem:$0x3FB0]  }
0x2e: {  	s3 =	simm.s32 @!p0 $0x1082;
	s9 =	sld [smem:$0x3FB1]  }
0x2f: {  	lr =	sadd.s32 s0, s3;
	s0 =	sld [smem:$0x3FA8]  }
0x30: {  	s3 =	sld [smem:$0x3FAB]  }
0x31: {  	[smem:$0x3FB4] =	sst s10  }
0x32: {  	s10 =	sld [smem:$0x3FB2];
	_ =	sdelay $0x3  }
0x33: {  	p0 =	seq.s32 s10, $0x1;
	s10 =	sld [smem:$0x3FB4];
	_ =	sdelay $0x3  }
0x34: {  	[smem:$0x3FB4] =	sst s10  }
0x35: {  	s10 =	sld [smem:$0x3FB3];
	_ =	sdelay $0x3  }
0x36: {  	p1 =	seq.s32 s10, $0x1;
	s10 =	sld [smem:$0x3FB4];
	_ =	sdelay $0x3  }
0x37: {  	[smem:$0x3FB4] =	sst s10  }
0x38: {  	s10 =	sld [smem:$0x3FB5]  }
0x39: {  	_ = 	snop;
	(pc) =	sbr.ind lr, $3  }
0x3a: {  	_ = 	snop  }
0x3b: {  	_ = 	snop  }
0x3c: {  	p2 =	seq.s32 s10, $0x1;
	s10 =	sld [smem:$0x3FB4]  }
0x3d: {  	_ =	shalt  }
0x3e: {  	_ =	shalt  }
0x3f: {  	_ =	shalt  }
0x40: {  	_ =	shalt  }
0x41: {  	_ =	shalt  }
0x42: {  	_ =	shalt  }
0x43: {  	_ =	shalt  }
0x44: {  	_ =	shalt  }
0x45: {  	_ =	shalt  }
0x46: {  	_ =	shalt  }
0x47: {  	_ =	shalt  }
0x48: {  	_ =	shalt  }
0x49: {  	_ =	shalt  }
0x4a: {  	_ =	shalt  }
0x4b: {  	_ =	shalt  }
0x4c: {  	_ =	shalt  }
0x4d: {  	_ =	shalt  }
0x4e: {  	_ =	shalt  }
0x4f: {  	_ =	shalt  }
0x50: {  	_ =	shalt  }
0x51: {  	_ =	shalt  }
0x52: {  	_ =	shalt  }
0x53: {  	_ =	shalt  }
0x54: {  	_ =	shalt  }
0x55: {  	_ =	shalt  }
0x56: {  	_ =	shalt  }
0x57: {  	_ =	shalt  }
0x58: {  	_ =	shalt  }
0x59: {  	_ =	shalt  }
0x5a: {  	_ =	shalt  }
0x5b: {  	_ =	shalt  }
0x5c: {  	_ =	shalt  }
0x5d: {  	_ =	shalt  }
0x5e: {  	_ =	shalt  }
0x5f: {  	_ =	shalt  }
0x60: {  	_ =	shalt  }
0x61: {  	_ =	shalt  }
0x62: {  	_ =	shalt  }
0x63: {  	_ =	shalt  }
0x64: {  	_ =	shalt  }
0x65: {  	_ =	shalt  }
0x66: {  	_ =	shalt  }
0x67: {  	_ =	shalt  }
0x68: {  	_ =	shalt  }
0x69: {  	_ =	shalt  }
0x6a: {  	_ =	shalt  }
0x6b: {  	_ =	shalt  }
0x6c: {  	_ =	shalt  }
0x6d: {  	_ =	shalt  }
0x6e: {  	_ =	shalt  }
0x6f: {  	_ =	shalt  }
0x70: {  	_ =	shalt  }
0x71: {  	_ =	shalt  }
0x72: {  	_ =	shalt  }
0x73: {  	_ =	shalt  }
0x74: {  	_ =	shalt  }
0x75: {  	_ =	shalt  }
0x76: {  	_ =	shalt  }
0x77: {  	_ =	shalt  }
0x78: {  	_ =	shalt  }
0x79: {  	_ =	shalt  }
0x7a: {  	_ =	shalt  }
0x7b: {  	_ =	shalt  }
0x7c: {  	_ =	shalt  }
0x7d: {  	_ =	shalt  }
0x7e: {  	_ =	shalt  }
0x7f: {  	_ =	shalt  }
0x80: {  	_ =	shalt  }
0x81: {  	_ =	shalt  }
0x82: {  	_ =	shalt  }
0x83: {  	_ =	shalt  }
0x84: {  	_ =	shalt  }
0x85: {  	_ =	shalt  }
0x86: {  	_ =	shalt  }
0x87: {  	_ =	shalt  }
.Lfunc_end0:
.L_simem_size_0:
called_computation_lowered:
.L_overlay_start_0:
0x88: {  	s2 =	sld [smem:$0x3FD9]  }
0x89: {  	s3 =	sld [smem:$0x3FFE];
	_ =	sdelay $0x1  }
0x8a: {  	s1 =	srdreg.scid  }
0x8b: {  	s0 =	sand.u32 $0x1, s1  }
0x8c: {  	s16 =	sshll.u32 s0, $0xA;
	s2 =	sadd.s32 s3, s2  }
0x8d: {  	s2 =	sadd.s32 s2, s16  }
0x8e: {  	[smem:$0x3FC0] =	sst s2  }
0x8f: {  	_ = 	snop  }
0x90: {  	(tm) =	ssettm $0x1  }
0x91: {  	s17 =	sld [smem:$0x3FFB];
	_ =	sdelay $0x3  }
0x92: {  	_ =	strace s17  }
0x93: {  	s2 =	sld [smem:$0x3FFC];
	_ =	sdelay $0x3  }
0x94: {  	_ =	strace s2  }
0x95: {  	s2 =	sld [smem:$0x3FFD];
	_ =	sdelay $0x3  }
0x96: {  	_ =	strace s2  }
0x97: {  	_ =	strace $0x8FFFFFFF  }
0x98: {  	s18 =	sld [smem:$0x3FDB];
	_ =	sdelay $0x1  }
0x99: {  	s19 =	simm.s32 $_scs_section_size  }
0x9a: {  	s4 =	simm.s32 $_size__tile_overlayer_lowered;
	s5 =	simm.s32 $_tile_overlayer_lowered  }
0x9b: {  	s22 =	simm.s32 $0x1BFF;
	s21 =	sshll.u32 s5, $0x1;
	s2 =	sadd.s32 s19, s18  }
0x9c: {  	s6 =	simm.s32 $0x0;
	s20 =	sshll.u32 s4, $0x1;
	s4 =	sadd.s32 s21, s2  }
0x9d: {  	[timem:s6], [sflag:s22] =	dma.local [hbm:s4], s20  }
0x9e: {  	_ =	swait.ge [sflag:s22], s20  }
0x9f: {  	s3 =	ssub.s32 $0x0, s20;
	[sflag:s22] =	ssyncset.done $0x0  }
0xa0: {  	[sflag:s22] =	ssyncadd.s32 s3;
	_ =	sdelay $0x1  }
0xa1: {  	s23 =	simm.s32 $0x1B8B  }
0xa2: {  	_ =	swait.ge [sflag:s23], $0x1  }
0xa3: {  	[sflag:s23] =	ssyncset.done $0x0  }
0xa4: {  	s25 =	simm.s32 $0x1B8E;
	s24 =	sld [smem:$0x3FFE];
	[sflag:s23] =	ssyncadd.s32 $0xFFFFFFFF  }
0xa5: {  	s26 =	simm.s32 $execute0_lowered;
	[smem:$0x3FD2] =	sst s25  }
0xa6: {  	s4 =	sshll.u32 s26, $0x1;
	_ =	strace $0x80000046;
	[dreg:$0x1] =	wrdreg $0xFFFFFFFF  }
0xa7: {  	s28 =	simm.s32 $_size_execute0_lowered;
	s2 =	sadd.s32 s2, s4;
	[dreg:$0x0] =	wrdreg $0x0  }
0xa8: {  	s4 =	sshll.u32 s28, $0x1;
	[dreg:$0x2] =	wrdreg s2  }
0xa9: {  	[dreg:$0x3] =	wrdreg s4  }
0xaa: {  	[dreg:$0x4] =	wrdreg $0xC0  }
0xab: {  	_ =	task [dreg:s6], $0x5FFFF  }
0xac: {  	[dreg:$0x1] =	wrdreg $0xFFFFFFFF  }
0xad: {  	[dreg:$0x0] =	wrdreg $0x60  }
0xae: {  	[dreg:$0x2] =	wrdreg s24  }
0xaf: {  	[dreg:$0x3] =	wrdreg $0x29000  }
0xb0: {  	[dreg:$0x4] =	wrdreg $0x9  }
0xb1: {  	_ =	task.clear_ibuf [dreg:s6], $0x5FFFF;
	_ =	strace $0x90000046  }
0xb2: {  	s29 =	simm.s32 $0x9;
	_ =	strace $0x80000048  }
0xb3: {  	_ =	swait.ge [sflag:s29], $0x1  }
0xb4: {  	[sflag:s29] =	ssyncadd.s32 $0xFFFFFFFF  }
0xb5: {  	_ =	strace $0x90000048  }
0xb6: {  	_ =	sfence  }
0xb7: {  	s30 =	sld [smem:$0x0];
	_ =	sdelay $0x2  }
0xb8: {  	s31 =	sshll.u32 s1, $0xD;
	s1 =	sshrl.u32 s1, $0x2  }
0xb9: {  	s3 =	sand.u32 $0x4000, s31;
	s1 =	sadd.s32 s1, s30  }
0xba: {  	s0 =	sor.u32 s3, s0;
	s1 =	sshll.u32 s1, $0x11  }
0xbb: {  	s0 =	sor.u32 s1, s0  }
0xbc: {  	s0 =	sadd.s32 $0x8F2B, s0  }
0xbd: {  	[sflag:s0] =	ssyncadd.remote.s32 $0x1  }
0xbe: {  	_ =	sfence.sel $0xFFFF  }
0xbf: {  	[dreg:$0x0] =	wrdreg $0xFFFFFFFF;
	(pc) =	sbr.abs _section_cstart, $3  }
0xc0: {  	[dreg:$0x1] =	wrdreg $0xFFFFFFFF  }
0xc1: {  	_ =	task.clear_ibuf [dreg:s6], $0x2FFFF;
	_ =	strace $0x9FFFFFFF  }
0xc2: {  	(tm) =	ssettm $0x7FFFFFFF  }
0xc3: {  	_ =	shalt  }
tec
execute0_lowered:
.L_overlay_start_1:
0x0: {  	(tag) =	ssettag $0x1  }
0x1: {  	s0 =	srdreg.scid;
	s5 =	rddreg [dreg:$0x0]  }
0x2: {  	s2 =	rddreg [dreg:$0x1];
	s3 =	simm.s32 $0x0;
	s13 =	simm.s32 $0x1  }
0x3: {  	s14 =	simm.s32 $0x80;
	s15 =	simm.s32 $0x2800;
	s18 =	simm.s32 $0x20  }
0x4: {  	s19 =	simm.s32 $0x10;
	s4 =	sand.u32 $0x1, s0;
	s0 =	stileid.u32  }
0x5: {  	s20 =	simm.s32 $0x0;
	[smem:$0x7FF] =	sst s3;
	s7 =	smul.u32 $0x500, s0  }
0x6: {  	s1 =	sshll.u32 s4, $0x4;
	s8 =	sshll.u32 s4, $0x7;
	s9 =	smul.u32 $0xA00, s0  }
0x7: {  	s29 =	ssub.s32 $0x2, s4;
	s16 =	sshll.u32 s0, $0x6;
	s1 =	sor.u32 s0, s1  }
0x8: {  	s31 =	sshrl.u32 s29, $0x1;
	s16 =	sor.u32 $0x1C01, s16;
	s6 =	smul.u32 $0x500, s1  }
0x9: {  	s1 =	rddreg [dreg:$0x2];
	_ =	strace $0x80000047;
	s30 =	sshrl.u32 s9, $0x2  }
0xa: {  	s28 =	sor.u32 s8, s7;
	s12 =	ssub.s32 s29, s31;
	s4 =	sadd.s32 s30, s2  }
0xb: {  	s10 =	sadd.s32 s6, s5;
	s6 =	sshrl.u32 s28, $0x3;
	s7 =	sadd.s32 $0x180, s4  }
0xc: {  	s8 =	sadd.s32 $0x200, s4;
	s17 =	sshrl.u32 s4, $0x3;
	s11 =	sadd.s32 s6, s5  }
0xd: {  	s5 =	sadd.s32 $0x80, s4;
	s6 =	sadd.s32 $0x100, s4;
	s9 =	sadd.s32 $0x2600, s10  }
0xe: {  	v0 =	vimm.f32 $1.000000000e+00;
	v1 =	vimm.f32 $0.0e+00;
	s10 =	sadd.s32 $0xC600, s11;
	s11 =	smax.u32 s12, $0x1;
	s12 =	simm.s32 $0x2880  }
.LBB2_1:
0xf: {  	[tilespmem:$0x2800] =	vst v0  }
0x10: {  	[tilespmem:$0x2880] =	vst v1  }
0x11: {  	[tilespmem:$0x2810] =	vst v0  }
0x12: {  	[tilespmem:$0x2890] =	vst v1  }
0x13: {  	[tilespmem:$0x2820] =	vst v0  }
0x14: {  	[tilespmem:$0x28A0] =	vst v1  }
0x15: {  	[tilespmem:$0x2830] =	vst v0  }
0x16: {  	[tilespmem:$0x28B0] =	vst v1  }
0x17: {  	[tilespmem:$0x2840] =	vst v0  }
0x18: {  	[tilespmem:$0x28C0] =	vst v1  }
0x19: {  	[tilespmem:$0x2850] =	vst v0  }
0x1a: {  	[tilespmem:$0x28D0] =	vst v1  }
0x1b: {  	[tilespmem:$0x2860] =	vst v0  }
0x1c: {  	[tilespmem:$0x28E0] =	vst v1  }
0x1d: {  	[tilespmem:$0x2870] =	vst v0  }
0x1e: {  	[tilespmem:$0x28F0] =	vst v1  }
0x1f: {  	[spmem:s4] =	stream.linear.scatter [tilespmem:s12], [sflag:$0x1], $0x80, $0x38;
	[tilespmem:$0x2B80] =	vst v63  }
0x20: {  	_ =	swait.ge [sflag:s13], $0x80  }
0x21: {  	[sflag:s13] =	ssyncset.done $0x0  }
0x22: {  	[sflag:s13] =	ssyncadd.s32 $0xFFFFFF80  }
0x23: {  	[spmem:s5] =	stream.linear.scatter [tilespmem:s12], [sflag:$0x1], $0x80, $0x38;
	[tilespmem:$0x2B80] =	vst v63  }
0x24: {  	_ =	swait.ge [sflag:s13], $0x80  }
0x25: {  	[sflag:s13] =	ssyncset.done $0x0  }
0x26: {  	[sflag:s13] =	ssyncadd.s32 $0xFFFFFF80  }
0x27: {  	[spmem:s6] =	stream.linear.scatter [tilespmem:s12], [sflag:$0x1], $0x80, $0x38;
	[tilespmem:$0x2B80] =	vst v63  }
0x28: {  	_ =	swait.ge [sflag:s13], $0x80  }
0x29: {  	[sflag:s13] =	ssyncset.done $0x0  }
0x2a: {  	[sflag:s13] =	ssyncadd.s32 $0xFFFFFF80  }
0x2b: {  	[spmem:s7] =	stream.linear.scatter [tilespmem:s12], [sflag:$0x1], $0x80, $0x38;
	[tilespmem:$0x2B80] =	vst v63  }
0x2c: {  	_ =	swait.ge [sflag:s13], $0x80  }
0x2d: {  	[sflag:s13] =	ssyncset.done $0x0  }
0x2e: {  	[sflag:s13] =	ssyncadd.s32 $0xFFFFFF80  }
0x2f: {  	[spmem:s8] =	stream.linear.scatter [tilespmem:s12], [sflag:$0x1], $0x80, $0x38;
	[tilespmem:$0x2B80] =	vst v63  }
0x30: {  	_ =	swait.ge [sflag:s13], $0x80  }
0x31: {  	[sflag:s13] =	ssyncset.done $0x0  }
0x32: {  	[sflag:s13] =	ssyncadd.s32 $0xFFFFFF80  }
0x33: {  	[bflag:$0x0] =	sbarrier.arrive $0xFFFF  }
0x34: {  	[tilespmem:s3], [sflag:$0x1] =	stream.linear.gather [hbm4b:s9+s3], $0x2780, $0x38;
	[tilespmem:$0x2B80] =	vst v63  }
0x35: {  	_ =	swait.ge [sflag:s13], $0x2780  }
0x36: {  	[sflag:s13] =	ssyncset.done $0x0  }
0x37: {  	s21 =	simm.s32 $0x0;
	[sflag:s13] =	ssyncadd.s32 $0xFFFFD880  }
0x38: {  	[spmem:s2] =	stream.indirect.scatter.add.f32 [tilespmem:s15], [sflag:$0x1], $0x1, s21, s14, $0xb8;
	[tilespmem:$0x2B80] =	vst v63  }
0x39: {  	_ =	swait.ge [sflag:s13], $0x80  }
0x3a: {  	s21 =	simm.s32 $0x200;
	[sflag:s13] =	ssyncset.done $0x0  }
.LBB2_2:
0x3b: {  	s22 =	sshra.s32 s21, $0x2;
	[sflag:s13] =	ssyncadd.s32 $0xFFFFFF80;
	p0 =	sne.s32 s21, $0x9C00  }
0x3c: {  	[spmem:s2] =	stream.indirect.scatter.add.f32 [tilespmem:s15], [sflag:$0x1], $0x1, s22, s14, $0xb8;
	[tilespmem:$0x2B80] =	vst v63  }
.Ltmp0:
0x3d: {  	_ = 	snop;
	(pc) =	sbr.rel @p0 .LBB2_2-.Ltmp0, $4  }
0x3e: {  	_ = 	snop  }
0x3f: {  	s21 =	sadd.s32 $0x200, s21  }
0x40: {  	_ =	swait.ge [sflag:s13], $0x80  }
0x41: {  	[sflag:s13] =	ssyncset.done $0x0  }
0x42: {  	s20 =	sadd.s32 $0x1, s20  }
0x43: {  	[sflag:s13] =	ssyncadd.s32 $0xFFFFFF80;
	p0 =	sne.s32 s20, s11  }
.Ltmp1:
0x44: {  	[bflag:$0x0] =	sbarrier.arrive $0xFFFF;
	(pc) =	sbr.rel @p0 .LBB2_1-.Ltmp1, $4  }
0x45: {  	[hbm:s10@s18], [sflag:s16] =	dma.strided [spmem:s17@s19], $0x50, s13, $0x10   }
0x46: {  	_ =	swait.ge [sflag:s13], $0x50  }
0x47: {  	[sflag:s13] =	ssyncset.done $0x0  }
0x48: {  	[sflag:s13] =	ssyncadd.s32 $0xFFFFFFB0  }
0x49: {  	_ =	sfence.sel $0x180000  }
0x4a: {  	[bflag:$0x0] =	sbarrier.arrive $0xFFFF  }
0x4b: {  	p0 =	sne.s32 s0, $0x0;
	_ =	strace $0x90000047  }
0x4c: {  	s0 =	sadd.s32 @!p0 $0x100000, s1;
	[bflag:$0x2] =	sbarrier.arrive $0xFFFF  }
0x4d: {  	[sflag:s0] =	ssyncadd.tile.s32 @!p0 $0x1;
	_ =	shalt  }
.Lfunc_end2:
_tile_overlayer_lowered:
.L_overlay_start_2:
0x4e: {  	(tag) =	ssettag $0x2  }
0x4f: {  	s0 =	rddreg [dreg:$0x0];
	s2 =	stileid.u32  }
0x50: {  	s1 =	rddreg [dreg:$0x1];
	p0 =	sne.s32 s2, $0x0  }
0x51: {  	s3 =	rddreg [dreg:$0x2];
	[bflag:$0x3] =	sbarrier.arrive $0xFFFF;
	s2 =	simm.s32 @!p0 $0x1C01  }
0x52: {  	[timem:s3], [sflag:s2] =	dma.local @!p0 [hbm:s0], s1  }
0x53: {  	s0 =	simm.s32 @!p0 $0x1  }
0x54: {  	_ =	swait.ge @!p0 [sflag:s0], s1  }
0x55: {  	s1 =	ssub.s32 @!p0 $0x0, s1;
	[sflag:s0] =	ssyncset.done @!p0 $0x0  }
0x56: {  	[sflag:s0] =	ssyncadd.s32 @!p0 s1  }
0x57: {  	[bflag:$0x3] =	sbarrier.arrive $0xFFFF  }
0x58: {  	_ =	shalt  }

</sc_bundles>
